<compile_context>
chip_gen: v7x
topology: tpu7x:2x2x1
jax: 0.10.2.dev20260603
libtpu: 0.0.44.dev20260713+nightly
codegen_flags: <defaults>
</compile_context>

<pallas_src>
import functools

import jax
import jax.numpy as jnp
from jax import lax
from jax.experimental import pallas as pl
from jax.experimental.pallas import tpu as pltpu
from jax.experimental.pallas import tpu_sc as plsc

N = 10000
D = 128
E = 320000

NC = 2
NS = 16
NW = NC * NS

NP = 10240
NPR = NP // 128
CK = 80
CH = 125
EPW = CH * CK
EW = 10496


def _edge_window(wid):
    wid16 = wid * EPW
    start = lax.min(wid16 - lax.rem(wid16, 128), jnp.int32(E - EW))
    start = pl.multiple_of(start, 128)
    return start, wid16 - start
RPT = NP // NS
BLK = 2000


def _zero_rows(ref, nrows):
    z = jnp.zeros((16,), jnp.float32)

    def body(r, _):
        for k in range(8):
            ref[r, pl.ds(k * 16, 16)] = z
        return 0

    lax.fori_loop(0, nrows, body, 0)


def _hist_body(ei_hbm, out_hbm, eiv, lh, iotav, sh):
    c = lax.axis_index("c")
    s = lax.axis_index("s")
    wid = s * NC + c

    start, r = _edge_window(wid)
    pltpu.sync_copy(ei_hbm.at[:, pl.ds(start, EW)], eiv)

    _zero_rows(lh, NPR)
    for k in range(NPR // 16):
        iotav[0, pl.ds(k * 16, 16)] = lax.iota(jnp.int32, 16) + 16 * k

    @pl.when(s < NPR // 8)
    def _():
        pltpu.sync_copy(lh.at[pl.ds(s * 8, 8)], sh.at[pl.ds(s * 8, 8)])

    plsc.subcore_barrier()

    ones = jnp.ones((16,), jnp.float32)

    def body(q, _):
        idx = eiv[1, pl.ds(r + q * 16, 16)]
        plsc.addupdate_scatter(
            lh,
            [lax.shift_right_logical(idx, 7), lax.bitwise_and(idx, 127)],
            ones)
        return 0

    lax.fori_loop(0, EPW // 16, body, 0)

    pltpu.sync_copy(lh, sh.at[iotav.at[0]], add=True)
    plsc.subcore_barrier()

    @pl.when(s < NPR // 8)
    def _():
        pltpu.sync_copy(sh.at[pl.ds(s * 8, 8)], out_hbm.at[c, pl.ds(s * 8, 8)])


_hist = functools.partial(
    pl.kernel,
    out_type=jax.ShapeDtypeStruct((NC, NPR, 128), jnp.float32),
    mesh=plsc.VectorSubcoreMesh(
        core_axis_name="c", subcore_axis_name="s", num_cores=NC,
        num_subcores=NS),
    scratch_types=[
        pltpu.VMEM((2, EW), jnp.int32),
        pltpu.VMEM((NPR, 128), jnp.float32),
        pltpu.VMEM((1, NPR), jnp.int32),
        pltpu.VMEM_SHARED((NPR, 128), jnp.float32),
    ],
    compiler_params=pltpu.CompilerParams(needs_layout_passes=False),
)(_hist_body)


NBUF = 2


def _scat_body(hn_hbm, ei_hbm, out_hbm, ei2, rslot, cslot, buf, acc, *sems):
    c = lax.axis_index("c")
    s = lax.axis_index("s")
    wid = s * NC + c

    start, r = _edge_window(wid)
    pltpu.sync_copy(ei_hbm.at[:, pl.ds(start, EW)], ei2)

    _zero_rows(buf, CK)
    for k in range(RPT // CK):
        pltpu.sync_copy(buf.at[pl.ds(0, CK)],
                        acc.at[pl.ds(s * RPT + k * CK, CK)])
    plsc.subcore_barrier()

    def _fill(slot, row, j, b):
        for i in range(CK // 16):
            slot[b, pl.ds(i * 16, 16)] = ei2[row,
                                             pl.ds(r + j * CK + i * 16, 16)]

    def _gather(b):
        return pltpu.make_async_copy(
            hn_hbm.at[rslot.at[b]], buf.at[pl.ds(b * CK, CK)], sems[b])

    def _start_gather(j, b):
        _fill(rslot, 0, j, b)
        _gather(b).start()

    def _scatter_sync(j, b):
        _fill(cslot, 1, j, b)
        pltpu.sync_copy(buf.at[pl.ds(b * CK, CK)], acc.at[cslot.at[b]],
                        add=True)

    for b in range(NBUF):
        _start_gather(b, b)

    def group(g, _):
        for b in range(NBUF):
            j = g * NBUF + b
            _gather(b).wait()
            _scatter_sync(j, b)

            @pl.when(j + NBUF < CH)
            def _():
                _start_gather(j + NBUF, b)
        return 0

    lax.fori_loop(0, CH // NBUF, group, 0)
    for j in range(NBUF * (CH // NBUF), CH):
        _gather(j % NBUF).wait()
        _scatter_sync(j, j % NBUF)
    plsc.subcore_barrier()

    pltpu.sync_copy(acc.at[pl.ds(s * RPT, RPT)],
                    out_hbm.at[c, pl.ds(s * RPT, RPT)])


_scat = functools.partial(
    pl.kernel,
    out_type=jax.ShapeDtypeStruct((NC, NP, D), jnp.float32),
    mesh=plsc.VectorSubcoreMesh(
        core_axis_name="c", subcore_axis_name="s", num_cores=NC,
        num_subcores=NS),
    scratch_types=[
        pltpu.VMEM((2, EW), jnp.int32),
        pltpu.VMEM((NBUF, CK), jnp.int32),
        pltpu.VMEM((NBUF, CK), jnp.int32),
        pltpu.VMEM((NBUF * CK, D), jnp.float32),
        pltpu.VMEM_SHARED((NP, D), jnp.float32),
    ] + [pltpu.SemaphoreType.DMA] * NBUF,
    compiler_params=pltpu.CompilerParams(needs_layout_passes=False),
)(_scat_body)


def _deg_body(hist_ref, dinv_ref):
    h = hist_ref[...]
    dinv_ref[...] = lax.rsqrt(h[0] + h[1] + 1.0)


_tc_deg = pl.pallas_call(
    _deg_body,
    out_shape=jax.ShapeDtypeStruct((NPR, 128), jnp.float32),
)


def _prep_body(x_ref, w1_ref, w2_ref, bsum_ref, dinv_ref, hn_ref, sb_ref):
    xb = x_ref[...]
    dinv = dinv_ref[...]
    h1 = jnp.dot(xb, w1_ref[...], preferred_element_type=jnp.float32)
    hn_ref[...] = h1 * dinv
    sb_ref[...] = (h1 * (dinv * dinv)
                   + jnp.dot(xb, w2_ref[...], preferred_element_type=jnp.float32)
                   + bsum_ref[...])


_tc_prep = pl.pallas_call(
    _prep_body,
    grid=(N // BLK,),
    in_specs=[
        pl.BlockSpec((BLK, D), lambda i: (i, 0)),
        pl.BlockSpec((D, D), lambda i: (0, 0)),
        pl.BlockSpec((D, D), lambda i: (0, 0)),
        pl.BlockSpec((1, D), lambda i: (0, 0)),
        pl.BlockSpec((BLK, 1), lambda i: (i, 0)),
    ],
    out_specs=(
        pl.BlockSpec((BLK, D), lambda i: (i, 0)),
        pl.BlockSpec((BLK, D), lambda i: (i, 0)),
    ),
    out_shape=(
        jax.ShapeDtypeStruct((N, D), jnp.float32),
        jax.ShapeDtypeStruct((N, D), jnp.float32),
    ),
)


def _final_body(acc_ref, dinv_ref, sb_ref, out_ref):
    a = acc_ref[...]
    out_ref[...] = (a[0] + a[1]) * dinv_ref[...] + sb_ref[...]


BLKF = 2000

_tc_final = pl.pallas_call(
    _final_body,
    grid=(N // BLKF,),
    in_specs=[
        pl.BlockSpec((NC, BLKF, D), lambda i: (0, i, 0)),
        pl.BlockSpec((BLKF, 1), lambda i: (i, 0)),
        pl.BlockSpec((BLKF, D), lambda i: (i, 0)),
    ],
    out_specs=pl.BlockSpec((BLKF, D), lambda i: (i, 0)),
    out_shape=jax.ShapeDtypeStruct((N, D), jnp.float32),
)


def kernel(x, edge_index, W1, b1, W2, b2):
    hist = _hist(edge_index)
    dinv80 = _tc_deg(hist)
    dinv_col = dinv80.reshape(NP, 1)[:N]

    bsum = (b1 + b2).reshape(1, D)
    hn, sb = _tc_prep(x, W1, W2, bsum, dinv_col)

    accs = _scat(hn, edge_index)
    return _tc_final(accs, dinv_col, sb)

# --- scband reference (transcript-rebuilt; emitter-appended) ---
"""Pipeline reference for scband-self-loop-gcnconv-70815420777057 (READ-ONLY COPY).

The authoritative reference and input builder live on the scoring server;
editing this copy changes nothing except your own understanding.
"""

import jax, jax.numpy as jnp
import numpy as np

N = 10000
E = 320000
D_IN = 128
D_OUT = 128


def setup_inputs(seed: int = 0) -> dict:
    key = jax.random.key(seed)
    k1, k2, k3, k4 = jax.random.split(key, 4)
    x = jax.random.normal(k1, (N, D_IN), dtype=jnp.float32)
    edge_index = jax.random.randint(k2, (2, E), 0, N, dtype=jnp.int32)
    scale = (6.0 / (D_IN + D_OUT)) ** 0.5
    W1 = jax.random.uniform(k3, (D_IN, D_OUT), minval=-scale, maxval=scale, dtype=jnp.float32)
    W2 = jax.random.uniform(k4, (D_IN, D_OUT), minval=-scale, maxval=scale, dtype=jnp.float32)
    b1 = jnp.zeros((D_OUT,), dtype=jnp.float32)
    b2 = jnp.zeros((D_OUT,), dtype=jnp.float32)
    return {"x": x, "edge_index": edge_index, "W1": W1, "b1": b1, "W2": W2, "b2": b2}


def gcn_conv(x, edge_index, W, b):
    # Faithful GCNConv: add self-loops, symmetric deg^-1/2 normalization, linear, scatter-add, bias.
    n = x.shape[0]
    row = edge_index[0]
    col = edge_index[1]
    loop = jnp.arange(n, dtype=edge_index.dtype)
    row = jnp.concatenate([row, loop])
    col = jnp.concatenate([col, loop])
    deg = jnp.zeros((n,), dtype=x.dtype).at[col].add(1.0)
    deg_inv_sqrt = jnp.where(deg > 0, jax.lax.rsqrt(jnp.maximum(deg, 1e-12)), 0.0)
    norm = deg_inv_sqrt[row] * deg_inv_sqrt[col]
    h = x @ W
    msg = h[row] * norm[:, None]
    out = jnp.zeros((n, W.shape[1]), dtype=x.dtype).at[col].add(msg)
    return out + b


def reference(x, edge_index, W1, b1, W2, b2):
    n = x.shape[0]
    loop = jnp.arange(n, dtype=edge_index.dtype)
    only_self_loops = jnp.stack([loop, loop])
    return gcn_conv(x, edge_index, W1, b1) + gcn_conv(x, only_self_loops, W2, b2)

if __name__ == "__main__":
    import jax
    _d = setup_inputs()
    print(jax.jit(kernel)(*tuple(_d.values())))

</pallas_src>

<mosaic_0001>
#map = affine_map<(d0, d1) -> (0, 0)>
#map1 = affine_map<(d0, d1) -> (0, 0, 0)>
module attributes {stable_mosaic.version = 14 : i64} {
  func.func @_scat_body(%arg0: i32, %arg1: i32, %arg2: memref<10000x128xf32, #tpu.memory_space<hbm>>, %arg3: memref<2x320000xi32, #tpu.memory_space<hbm>>, %arg4: memref<2x10240x128xf32, #tpu.memory_space<hbm>>, %arg5: memref<2x10496xi32, #tpu.memory_space<vmem>>, %arg6: memref<2x80xi32, #tpu.memory_space<vmem>>, %arg7: memref<2x80xi32, #tpu.memory_space<vmem>>, %arg8: memref<160x128xf32, #tpu.memory_space<vmem>>, %arg9: memref<10240x128xf32, #tpu.memory_space<vmem_shared>>, %arg10: memref<!tpu.dma_semaphore, #tpu.memory_space<semaphore_mem>>, %arg11: memref<!tpu.dma_semaphore, #tpu.memory_space<semaphore_mem>>) attributes {dimension_semantics = [#tpu.dimension_semantics<core_parallel>, #tpu.dimension_semantics<subcore_parallel>], iteration_bounds = array<i64: 2, 16>, scalar_prefetch = 0 : i64, scratch_operands = 7 : i64, tpu.core_type = #tpu.core_type<sc_vector_subcore>, window_params = [{transform_indices = #map}, {transform_indices = #map}, {transform_indices = #map1}]} {
    %mul3A = arith.constant 2 : i32
    %mul3A_0 = arith.muli %arg1, %mul3A : i32
    %add3A = arith.addi %mul3A_0, %arg0 : i32
    %mul3A_1 = arith.constant 10000 : i32
    %mul3A_2 = arith.muli %add3A, %mul3A_1 : i32
    %rem3A = arith.constant 128 : i32
    %rem3A_3 = arith.remsi %mul3A_2, %rem3A : i32
    %sub3A = arith.subi %mul3A_2, %rem3A_3 : i32
    %min3A = arith.constant 309504 : i32
    %min3A_4 = arith.minsi %sub3A, %min3A : i32
    %multiple_of3A = tpu.assume_multiple %min3A_4, 128 : i32
    %sub3A_5 = arith.subi %mul3A_2, %multiple_of3A : i32
    "tpu.region"() ({
      %run_scoped3A_263 = tpu.sem_alloc : memref<!tpu.dma_semaphore, #tpu.memory_space<semaphore_mem>>
      %dma_start3A_264 = arith.constant 0 : i32
      %dma_start3A_265 = tpu.memref_slice %arg3[%dma_start3A_264, %multiple_of3A] : memref<2x320000xi32, #tpu.memory_space<hbm>> -> memref<2x10496xi32, #tpu.memory_space<hbm>>
      %dma_start3A_266 = arith.constant 0 : i32
      %dma_start3A_267 = tpu.memref_slice %arg3[%dma_start3A_266, %multiple_of3A] : memref<2x320000xi32, #tpu.memory_space<hbm>> -> memref<2x10496xi32, #tpu.memory_space<hbm>>
      tpu.enqueue_dma source(%dma_start3A_267 : memref<2x10496xi32, #tpu.memory_space<hbm>>) target(%arg5 : memref<2x10496xi32, #tpu.memory_space<vmem>>) target_semaphore(%run_scoped3A_263 : memref<!tpu.dma_semaphore, #tpu.memory_space<semaphore_mem>>)
      %dma_wait3A_268 = arith.constant 0 : i32
      %dma_wait3A_269 = tpu.memref_slice %arg3[%dma_wait3A_268, %multiple_of3A] : memref<2x320000xi32, #tpu.memory_space<hbm>> -> memref<2x10496xi32, #tpu.memory_space<hbm>>
      %dma_wait3A_270 = arith.constant 0 : i32
      %dma_wait3A_271 = tpu.memref_slice %arg3[%dma_wait3A_270, %multiple_of3A] : memref<2x320000xi32, #tpu.memory_space<hbm>> -> memref<2x10496xi32, #tpu.memory_space<hbm>>
      tpu.wait_dma2 semaphore(%run_scoped3A_263 : memref<!tpu.dma_semaphore, #tpu.memory_space<semaphore_mem>>) src(%dma_wait3A_271 : memref<2x10496xi32, #tpu.memory_space<hbm>>) dst(%arg5 : memref<2x10496xi32, #tpu.memory_space<vmem>>)
      tpu.yield
    }) : () -> ()
    %broadcast_in_dim3A = arith.constant 0.000000e+00 : f32
    %broadcast_in_dim3A_6 = vector.broadcast %broadcast_in_dim3A : f32 to vector<16xf32>
    %scan3A = arith.constant 0 : i32
    %scan3A_7 = arith.constant 0 : i32
    %scan3A_8 = arith.constant 80 : i32
    %scan3A_9 = arith.addi %scan3A_7, %scan3A_8 : i32
    %scan3A_10 = arith.constant 1 : i32
    %scan3A_11 = scf.for %scan3A_263 = %scan3A_7 to %scan3A_9 step %scan3A_10 iter_args(%scan3A_264 = %scan3A) -> (i32)  : i32 {
      %swap3A_265 = arith.index_cast %scan3A_263 : i32 to index
      %swap3A_266 = arith.constant 0 : index
      %swap3A_267 = tpu.vector_load %arg8[%swap3A_265, %swap3A_266] {strides = array<i32>} : memref<160x128xf32, #tpu.memory_space<vmem>>, vector<16xf32>,
      tpu.vector_store %arg8[%swap3A_265, %swap3A_266], %broadcast_in_dim3A_6 {strides = array<i32>} : memref<160x128xf32, #tpu.memory_space<vmem>>, vector<16xf32>,
      %swap3A_268 = arith.index_cast %scan3A_263 : i32 to index
      %swap3A_269 = arith.constant 16 : index
      %swap3A_270 = tpu.vector_load %arg8[%swap3A_268, %swap3A_269] {strides = array<i32>} : memref<160x128xf32, #tpu.memory_space<vmem>>, vector<16xf32>,
      tpu.vector_store %arg8[%swap3A_268, %swap3A_269], %broadcast_in_dim3A_6 {strides = array<i32>} : memref<160x128xf32, #tpu.memory_space<vmem>>, vector<16xf32>,
      %swap3A_271 = arith.index_cast %scan3A_263 : i32 to index
      %swap3A_272 = arith.constant 32 : index
      %swap3A_273 = tpu.vector_load %arg8[%swap3A_271, %swap3A_272] {strides = array<i32>} : memref<160x128xf32, #tpu.memory_space<vmem>>, vector<16xf32>,
      tpu.vector_store %arg8[%swap3A_271, %swap3A_272], %broadcast_in_dim3A_6 {strides = array<i32>} : memref<160x128xf32, #tpu.memory_space<vmem>>, vector<16xf32>,
      %swap3A_274 = arith.index_cast %scan3A_263 : i32 to index
      %swap3A_275 = arith.constant 48 : index
      %swap3A_276 = tpu.vector_load %arg8[%swap3A_274, %swap3A_275] {strides = array<i32>} : memref<160x128xf32, #tpu.memory_space<vmem>>, vector<16xf32>,
      tpu.vector_store %arg8[%swap3A_274, %swap3A_275], %broadcast_in_dim3A_6 {strides = array<i32>} : memref<160x128xf32, #tpu.memory_space<vmem>>, vector<16xf32>,
      %swap3A_277 = arith.index_cast %scan3A_263 : i32 to index
      %swap3A_278 = arith.constant 64 : index
      %swap3A_279 = tpu.vector_load %arg8[%swap3A_277, %swap3A_278] {strides = array<i32>} : memref<160x128xf32, #tpu.memory_space<vmem>>, vector<16xf32>,
      tpu.vector_store %arg8[%swap3A_277, %swap3A_278], %broadcast_in_dim3A_6 {strides = array<i32>} : memref<160x128xf32, #tpu.memory_space<vmem>>, vector<16xf32>,
      %swap3A_280 = arith.index_cast %scan3A_263 : i32 to index
      %swap3A_281 = arith.constant 80 : index
      %swap3A_282 = tpu.vector_load %arg8[%swap3A_280, %swap3A_281] {strides = array<i32>} : memref<160x128xf32, #tpu.memory_space<vmem>>, vector<16xf32>,
      tpu.vector_store %arg8[%swap3A_280, %swap3A_281], %broadcast_in_dim3A_6 {strides = array<i32>} : memref<160x128xf32, #tpu.memory_space<vmem>>, vector<16xf32>,
      %swap3A_283 = arith.index_cast %scan3A_263 : i32 to index
      %swap3A_284 = arith.constant 96 : index
      %swap3A_285 = tpu.vector_load %arg8[%swap3A_283, %swap3A_284] {strides = array<i32>} : memref<160x128xf32, #tpu.memory_space<vmem>>, vector<16xf32>,
      tpu.vector_store %arg8[%swap3A_283, %swap3A_284], %broadcast_in_dim3A_6 {strides = array<i32>} : memref<160x128xf32, #tpu.memory_space<vmem>>, vector<16xf32>,
      %swap3A_286 = arith.index_cast %scan3A_263 : i32 to index
      %swap3A_287 = arith.constant 112 : index
      %swap3A_288 = tpu.vector_load %arg8[%swap3A_286, %swap3A_287] {strides = array<i32>} : memref<160x128xf32, #tpu.memory_space<vmem>>, vector<16xf32>,
      tpu.vector_store %arg8[%swap3A_286, %swap3A_287], %broadcast_in_dim3A_6 {strides = array<i32>} : memref<160x128xf32, #tpu.memory_space<vmem>>, vector<16xf32>,
      %scan3A_289 = arith.constant 0 : i32
      scf.yield %scan3A_289 : i32
    }
    %scan3A_12 = arith.constant 80 : i32
    %mul3A_13 = arith.constant 640 : i32
    %mul3A_14 = arith.muli %arg1, %mul3A_13 : i32
    %add3A_15 = arith.constant 0 : i32
    %add3A_16 = arith.addi %mul3A_14, %add3A_15 : i32
    "tpu.region"() ({
      %run_scoped3A_263 = tpu.sem_alloc : memref<!tpu.dma_semaphore, #tpu.memory_space<semaphore_mem>>
      %dma_start3A_264 = arith.constant 0 : i32
      %dma_start3A_265 = arith.constant 0 : i32
      %dma_start3A_266 = tpu.memref_slice %arg8[%dma_start3A_264, %dma_start3A_265] : memref<160x128xf32, #tpu.memory_space<vmem>> -> memref<80x128xf32, #tpu.memory_space<vmem>>
      %dma_start3A_267 = arith.constant 0 : i32
      %dma_start3A_268 = tpu.memref_slice %arg9[%add3A_16, %dma_start3A_267] : memref<10240x128xf32, #tpu.memory_space<vmem_shared>> -> memref<80x128xf32, #tpu.memory_space<vmem_shared>>
      %dma_start3A_269 = arith.constant 0 : i32
      %dma_start3A_270 = tpu.memref_slice %arg9[%add3A_16, %dma_start3A_269] : memref<10240x128xf32, #tpu.memory_space<vmem_shared>> -> memref<80x128xf32, #tpu.memory_space<vmem_shared>>
      %dma_start3A_271 = arith.constant 0 : i32
      %dma_start3A_272 = arith.constant 0 : i32
      %dma_start3A_273 = tpu.memref_slice %arg8[%dma_start3A_271, %dma_start3A_272] : memref<160x128xf32, #tpu.memory_space<vmem>> -> memref<80x128xf32, #tpu.memory_space<vmem>>
      tpu.enqueue_dma source(%dma_start3A_273 : memref<80x128xf32, #tpu.memory_space<vmem>>) target(%dma_start3A_270 : memref<80x128xf32, #tpu.memory_space<vmem_shared>>) target_semaphore(%run_scoped3A_263 : memref<!tpu.dma_semaphore, #tpu.memory_space<semaphore_mem>>)
      %dma_wait3A_274 = arith.constant 0 : i32
      %dma_wait3A_275 = arith.constant 0 : i32
      %dma_wait3A_276 = tpu.memref_slice %arg8[%dma_wait3A_274, %dma_wait3A_275] : memref<160x128xf32, #tpu.memory_space<vmem>> -> memref<80x128xf32, #tpu.memory_space<vmem>>
      %dma_wait3A_277 = arith.constant 0 : i32
      %dma_wait3A_278 = tpu.memref_slice %arg9[%add3A_16, %dma_wait3A_277] : memref<10240x128xf32, #tpu.memory_space<vmem_shared>> -> memref<80x128xf32, #tpu.memory_space<vmem_shared>>
      %dma_wait3A_279 = arith.constant 0 : i32
      %dma_wait3A_280 = tpu.memref_slice %arg9[%add3A_16, %dma_wait3A_279] : memref<10240x128xf32, #tpu.memory_space<vmem_shared>> -> memref<80x128xf32, #tpu.memory_space<vmem_shared>>
      %dma_wait3A_281 = arith.constant 0 : i32
      %dma_wait3A_282 = arith.constant 0 : i32
      %dma_wait3A_283 = tpu.memref_slice %arg8[%dma_wait3A_281, %dma_wait3A_282] : memref<160x128xf32, #tpu.memory_space<vmem>> -> memref<80x128xf32, #tpu.memory_space<vmem>>
      tpu.wait_dma2 semaphore(%run_scoped3A_263 : memref<!tpu.dma_semaphore, #tpu.memory_space<semaphore_mem>>) src(%dma_wait3A_283 : memref<80x128xf32, #tpu.memory_space<vmem>>) dst(%dma_wait3A_280 : memref<80x128xf32, #tpu.memory_space<vmem_shared>>)
      tpu.yield
    }) : () -> ()
    %mul3A_17 = arith.constant 640 : i32
    %mul3A_18 = arith.muli %arg1, %mul3A_17 : i32
    %add3A_19 = arith.constant 80 : i32
    %add3A_20 = arith.addi %mul3A_18, %add3A_19 : i32
    "tpu.region"() ({
      %run_scoped3A_263 = tpu.sem_alloc : memref<!tpu.dma_semaphore, #tpu.memory_space<semaphore_mem>>
      %dma_start3A_264 = arith.constant 0 : i32
      %dma_start3A_265 = arith.constant 0 : i32
      %dma_start3A_266 = tpu.memref_slice %arg8[%dma_start3A_264, %dma_start3A_265] : memref<160x128xf32, #tpu.memory_space<vmem>> -> memref<80x128xf32, #tpu.memory_space<vmem>>
      %dma_start3A_267 = arith.constant 0 : i32
      %dma_start3A_268 = tpu.memref_slice %arg9[%add3A_20, %dma_start3A_267] : memref<10240x128xf32, #tpu.memory_space<vmem_shared>> -> memref<80x128xf32, #tpu.memory_space<vmem_shared>>
      %dma_start3A_269 = arith.constant 0 : i32
      %dma_start3A_270 = tpu.memref_slice %arg9[%add3A_20, %dma_start3A_269] : memref<10240x128xf32, #tpu.memory_space<vmem_shared>> -> memref<80x128xf32, #tpu.memory_space<vmem_shared>>
      %dma_start3A_271 = arith.constant 0 : i32
      %dma_start3A_272 = arith.constant 0 : i32
      %dma_start3A_273 = tpu.memref_slice %arg8[%dma_start3A_271, %dma_start3A_272] : memref<160x128xf32, #tpu.memory_space<vmem>> -> memref<80x128xf32, #tpu.memory_space<vmem>>
      tpu.enqueue_dma source(%dma_start3A_273 : memref<80x128xf32, #tpu.memory_space<vmem>>) target(%dma_start3A_270 : memref<80x128xf32, #tpu.memory_space<vmem_shared>>) target_semaphore(%run_scoped3A_263 : memref<!tpu.dma_semaphore, #tpu.memory_space<semaphore_mem>>)
      %dma_wait3A_274 = arith.constant 0 : i32
      %dma_wait3A_275 = arith.constant 0 : i32
      %dma_wait3A_276 = tpu.memref_slice %arg8[%dma_wait3A_274, %dma_wait3A_275] : memref<160x128xf32, #tpu.memory_space<vmem>> -> memref<80x128xf32, #tpu.memory_space<vmem>>
      %dma_wait3A_277 = arith.constant 0 : i32
      %dma_wait3A_278 = tpu.memref_slice %arg9[%add3A_20, %dma_wait3A_277] : memref<10240x128xf32, #tpu.memory_space<vmem_shared>> -> memref<80x128xf32, #tpu.memory_space<vmem_shared>>
      %dma_wait3A_279 = arith.constant 0 : i32
      %dma_wait3A_280 = tpu.memref_slice %arg9[%add3A_20, %dma_wait3A_279] : memref<10240x128xf32, #tpu.memory_space<vmem_shared>> -> memref<80x128xf32, #tpu.memory_space<vmem_shared>>
      %dma_wait3A_281 = arith.constant 0 : i32
      %dma_wait3A_282 = arith.constant 0 : i32
      %dma_wait3A_283 = tpu.memref_slice %arg8[%dma_wait3A_281, %dma_wait3A_282] : memref<160x128xf32, #tpu.memory_space<vmem>> -> memref<80x128xf32, #tpu.memory_space<vmem>>
      tpu.wait_dma2 semaphore(%run_scoped3A_263 : memref<!tpu.dma_semaphore, #tpu.memory_space<semaphore_mem>>) src(%dma_wait3A_283 : memref<80x128xf32, #tpu.memory_space<vmem>>) dst(%dma_wait3A_280 : memref<80x128xf32, #tpu.memory_space<vmem_shared>>)
      tpu.yield
    }) : () -> ()
    %mul3A_21 = arith.constant 640 : i32
    %mul3A_22 = arith.muli %arg1, %mul3A_21 : i32
    %add3A_23 = arith.constant 160 : i32
    %add3A_24 = arith.addi %mul3A_22, %add3A_23 : i32
    "tpu.region"() ({
      %run_scoped3A_263 = tpu.sem_alloc : memref<!tpu.dma_semaphore, #tpu.memory_space<semaphore_mem>>
      %dma_start3A_264 = arith.constant 0 : i32
      %dma_start3A_265 = arith.constant 0 : i32
      %dma_start3A_266 = tpu.memref_slice %arg8[%dma_start3A_264, %dma_start3A_265] : memref<160x128xf32, #tpu.memory_space<vmem>> -> memref<80x128xf32, #tpu.memory_space<vmem>>
      %dma_start3A_267 = arith.constant 0 : i32
      %dma_start3A_268 = tpu.memref_slice %arg9[%add3A_24, %dma_start3A_267] : memref<10240x128xf32, #tpu.memory_space<vmem_shared>> -> memref<80x128xf32, #tpu.memory_space<vmem_shared>>
      %dma_start3A_269 = arith.constant 0 : i32
      %dma_start3A_270 = tpu.memref_slice %arg9[%add3A_24, %dma_start3A_269] : memref<10240x128xf32, #tpu.memory_space<vmem_shared>> -> memref<80x128xf32, #tpu.memory_space<vmem_shared>>
      %dma_start3A_271 = arith.constant 0 : i32
      %dma_start3A_272 = arith.constant 0 : i32
      %dma_start3A_273 = tpu.memref_slice %arg8[%dma_start3A_271, %dma_start3A_272] : memref<160x128xf32, #tpu.memory_space<vmem>> -> memref<80x128xf32, #tpu.memory_space<vmem>>
      tpu.enqueue_dma source(%dma_start3A_273 : memref<80x128xf32, #tpu.memory_space<vmem>>) target(%dma_start3A_270 : memref<80x128xf32, #tpu.memory_space<vmem_shared>>) target_semaphore(%run_scoped3A_263 : memref<!tpu.dma_semaphore, #tpu.memory_space<semaphore_mem>>)
      %dma_wait3A_274 = arith.constant 0 : i32
      %dma_wait3A_275 = arith.constant 0 : i32
      %dma_wait3A_276 = tpu.memref_slice %arg8[%dma_wait3A_274, %dma_wait3A_275] : memref<160x128xf32, #tpu.memory_space<vmem>> -> memref<80x128xf32, #tpu.memory_space<vmem>>
      %dma_wait3A_277 = arith.constant 0 : i32
      %dma_wait3A_278 = tpu.memref_slice %arg9[%add3A_24, %dma_wait3A_277] : memref<10240x128xf32, #tpu.memory_space<vmem_shared>> -> memref<80x128xf32, #tpu.memory_space<vmem_shared>>
      %dma_wait3A_279 = arith.constant 0 : i32
      %dma_wait3A_280 = tpu.memref_slice %arg9[%add3A_24, %dma_wait3A_279] : memref<10240x128xf32, #tpu.memory_space<vmem_shared>> -> memref<80x128xf32, #tpu.memory_space<vmem_shared>>
      %dma_wait3A_281 = arith.constant 0 : i32
      %dma_wait3A_282 = arith.constant 0 : i32
      %dma_wait3A_283 = tpu.memref_slice %arg8[%dma_wait3A_281, %dma_wait3A_282] : memref<160x128xf32, #tpu.memory_space<vmem>> -> memref<80x128xf32, #tpu.memory_space<vmem>>
      tpu.wait_dma2 semaphore(%run_scoped3A_263 : memref<!tpu.dma_semaphore, #tpu.memory_space<semaphore_mem>>) src(%dma_wait3A_283 : memref<80x128xf32, #tpu.memory_space<vmem>>) dst(%dma_wait3A_280 : memref<80x128xf32, #tpu.memory_space<vmem_shared>>)
      tpu.yield
    }) : () -> ()
    %mul3A_25 = arith.constant 640 : i32
    %mul3A_26 = arith.muli %arg1, %mul3A_25 : i32
    %add3A_27 = arith.constant 240 : i32
    %add3A_28 = arith.addi %mul3A_26, %add3A_27 : i32
    "tpu.region"() ({
      %run_scoped3A_263 = tpu.sem_alloc : memref<!tpu.dma_semaphore, #tpu.memory_space<semaphore_mem>>
      %dma_start3A_264 = arith.constant 0 : i32
      %dma_start3A_265 = arith.constant 0 : i32
      %dma_start3A_266 = tpu.memref_slice %arg8[%dma_start3A_264, %dma_start3A_265] : memref<160x128xf32, #tpu.memory_space<vmem>> -> memref<80x128xf32, #tpu.memory_space<vmem>>
      %dma_start3A_267 = arith.constant 0 : i32
      %dma_start3A_268 = tpu.memref_slice %arg9[%add3A_28, %dma_start3A_267] : memref<10240x128xf32, #tpu.memory_space<vmem_shared>> -> memref<80x128xf32, #tpu.memory_space<vmem_shared>>
      %dma_start3A_269 = arith.constant 0 : i32
      %dma_start3A_270 = tpu.memref_slice %arg9[%add3A_28, %dma_start3A_269] : memref<10240x128xf32, #tpu.memory_space<vmem_shared>> -> memref<80x128xf32, #tpu.memory_space<vmem_shared>>
      %dma_start3A_271 = arith.constant 0 : i32
      %dma_start3A_272 = arith.constant 0 : i32
      %dma_start3A_273 = tpu.memref_slice %arg8[%dma_start3A_271, %dma_start3A_272] : memref<160x128xf32, #tpu.memory_space<vmem>> -> memref<80x128xf32, #tpu.memory_space<vmem>>
      tpu.enqueue_dma source(%dma_start3A_273 : memref<80x128xf32, #tpu.memory_space<vmem>>) target(%dma_start3A_270 : memref<80x128xf32, #tpu.memory_space<vmem_shared>>) target_semaphore(%run_scoped3A_263 : memref<!tpu.dma_semaphore, #tpu.memory_space<semaphore_mem>>)
      %dma_wait3A_274 = arith.constant 0 : i32
      %dma_wait3A_275 = arith.constant 0 : i32
      %dma_wait3A_276 = tpu.memref_slice %arg8[%dma_wait3A_274, %dma_wait3A_275] : memref<160x128xf32, #tpu.memory_space<vmem>> -> memref<80x128xf32, #tpu.memory_space<vmem>>
      %dma_wait3A_277 = arith.constant 0 : i32
      %dma_wait3A_278 = tpu.memref_slice %arg9[%add3A_28, %dma_wait3A_277] : memref<10240x128xf32, #tpu.memory_space<vmem_shared>> -> memref<80x128xf32, #tpu.memory_space<vmem_shared>>
      %dma_wait3A_279 = arith.constant 0 : i32
      %dma_wait3A_280 = tpu.memref_slice %arg9[%add3A_28, %dma_wait3A_279] : memref<10240x128xf32, #tpu.memory_space<vmem_shared>> -> memref<80x128xf32, #tpu.memory_space<vmem_shared>>
      %dma_wait3A_281 = arith.constant 0 : i32
      %dma_wait3A_282 = arith.constant 0 : i32
      %dma_wait3A_283 = tpu.memref_slice %arg8[%dma_wait3A_281, %dma_wait3A_282] : memref<160x128xf32, #tpu.memory_space<vmem>> -> memref<80x128xf32, #tpu.memory_space<vmem>>
      tpu.wait_dma2 semaphore(%run_scoped3A_263 : memref<!tpu.dma_semaphore, #tpu.memory_space<semaphore_mem>>) src(%dma_wait3A_283 : memref<80x128xf32, #tpu.memory_space<vmem>>) dst(%dma_wait3A_280 : memref<80x128xf32, #tpu.memory_space<vmem_shared>>)
      tpu.yield
    }) : () -> ()
    %mul3A_29 = arith.constant 640 : i32
    %mul3A_30 = arith.muli %arg1, %mul3A_29 : i32
    %add3A_31 = arith.constant 320 : i32
    %add3A_32 = arith.addi %mul3A_30, %add3A_31 : i32
    "tpu.region"() ({
      %run_scoped3A_263 = tpu.sem_alloc : memref<!tpu.dma_semaphore, #tpu.memory_space<semaphore_mem>>
      %dma_start3A_264 = arith.constant 0 : i32
      %dma_start3A_265 = arith.constant 0 : i32
      %dma_start3A_266 = tpu.memref_slice %arg8[%dma_start3A_264, %dma_start3A_265] : memref<160x128xf32, #tpu.memory_space<vmem>> -> memref<80x128xf32, #tpu.memory_space<vmem>>
      %dma_start3A_267 = arith.constant 0 : i32
      %dma_start3A_268 = tpu.memref_slice %arg9[%add3A_32, %dma_start3A_267] : memref<10240x128xf32, #tpu.memory_space<vmem_shared>> -> memref<80x128xf32, #tpu.memory_space<vmem_shared>>
      %dma_start3A_269 = arith.constant 0 : i32
      %dma_start3A_270 = tpu.memref_slice %arg9[%add3A_32, %dma_start3A_269] : memref<10240x128xf32, #tpu.memory_space<vmem_shared>> -> memref<80x128xf32, #tpu.memory_space<vmem_shared>>
      %dma_start3A_271 = arith.constant 0 : i32
      %dma_start3A_272 = arith.constant 0 : i32
      %dma_start3A_273 = tpu.memref_slice %arg8[%dma_start3A_271, %dma_start3A_272] : memref<160x128xf32, #tpu.memory_space<vmem>> -> memref<80x128xf32, #tpu.memory_space<vmem>>
      tpu.enqueue_dma source(%dma_start3A_273 : memref<80x128xf32, #tpu.memory_space<vmem>>) target(%dma_start3A_270 : memref<80x128xf32, #tpu.memory_space<vmem_shared>>) target_semaphore(%run_scoped3A_263 : memref<!tpu.dma_semaphore, #tpu.memory_space<semaphore_mem>>)
      %dma_wait3A_274 = arith.constant 0 : i32
      %dma_wait3A_275 = arith.constant 0 : i32
      %dma_wait3A_276 = tpu.memref_slice %arg8[%dma_wait3A_274, %dma_wait3A_275] : memref<160x128xf32, #tpu.memory_space<vmem>> -> memref<80x128xf32, #tpu.memory_space<vmem>>
      %dma_wait3A_277 = arith.constant 0 : i32
      %dma_wait3A_278 = tpu.memref_slice %arg9[%add3A_32, %dma_wait3A_277] : memref<10240x128xf32, #tpu.memory_space<vmem_shared>> -> memref<80x128xf32, #tpu.memory_space<vmem_shared>>
      %dma_wait3A_279 = arith.constant 0 : i32
      %dma_wait3A_280 = tpu.memref_slice %arg9[%add3A_32, %dma_wait3A_279] : memref<10240x128xf32, #tpu.memory_space<vmem_shared>> -> memref<80x128xf32, #tpu.memory_space<vmem_shared>>
      %dma_wait3A_281 = arith.constant 0 : i32
      %dma_wait3A_282 = arith.constant 0 : i32
      %dma_wait3A_283 = tpu.memref_slice %arg8[%dma_wait3A_281, %dma_wait3A_282] : memref<160x128xf32, #tpu.memory_space<vmem>> -> memref<80x128xf32, #tpu.memory_space<vmem>>
      tpu.wait_dma2 semaphore(%run_scoped3A_263 : memref<!tpu.dma_semaphore, #tpu.memory_space<semaphore_mem>>) src(%dma_wait3A_283 : memref<80x128xf32, #tpu.memory_space<vmem>>) dst(%dma_wait3A_280 : memref<80x128xf32, #tpu.memory_space<vmem_shared>>)
      tpu.yield
    }) : () -> ()
    %mul3A_33 = arith.constant 640 : i32
    %mul3A_34 = arith.muli %arg1, %mul3A_33 : i32
    %add3A_35 = arith.constant 400 : i32
    %add3A_36 = arith.addi %mul3A_34, %add3A_35 : i32
    "tpu.region"() ({
      %run_scoped3A_263 = tpu.sem_alloc : memref<!tpu.dma_semaphore, #tpu.memory_space<semaphore_mem>>
      %dma_start3A_264 = arith.constant 0 : i32
      %dma_start3A_265 = arith.constant 0 : i32
      %dma_start3A_266 = tpu.memref_slice %arg8[%dma_start3A_264, %dma_start3A_265] : memref<160x128xf32, #tpu.memory_space<vmem>> -> memref<80x128xf32, #tpu.memory_space<vmem>>
      %dma_start3A_267 = arith.constant 0 : i32
      %dma_start3A_268 = tpu.memref_slice %arg9[%add3A_36, %dma_start3A_267] : memref<10240x128xf32, #tpu.memory_space<vmem_shared>> -> memref<80x128xf32, #tpu.memory_space<vmem_shared>>
      %dma_start3A_269 = arith.constant 0 : i32
      %dma_start3A_270 = tpu.memref_slice %arg9[%add3A_36, %dma_start3A_269] : memref<10240x128xf32, #tpu.memory_space<vmem_shared>> -> memref<80x128xf32, #tpu.memory_space<vmem_shared>>
      %dma_start3A_271 = arith.constant 0 : i32
      %dma_start3A_272 = arith.constant 0 : i32
      %dma_start3A_273 = tpu.memref_slice %arg8[%dma_start3A_271, %dma_start3A_272] : memref<160x128xf32, #tpu.memory_space<vmem>> -> memref<80x128xf32, #tpu.memory_space<vmem>>
      tpu.enqueue_dma source(%dma_start3A_273 : memref<80x128xf32, #tpu.memory_space<vmem>>) target(%dma_start3A_270 : memref<80x128xf32, #tpu.memory_space<vmem_shared>>) target_semaphore(%run_scoped3A_263 : memref<!tpu.dma_semaphore, #tpu.memory_space<semaphore_mem>>)
      %dma_wait3A_274 = arith.constant 0 : i32
      %dma_wait3A_275 = arith.constant 0 : i32
      %dma_wait3A_276 = tpu.memref_slice %arg8[%dma_wait3A_274, %dma_wait3A_275] : memref<160x128xf32, #tpu.memory_space<vmem>> -> memref<80x128xf32, #tpu.memory_space<vmem>>
      %dma_wait3A_277 = arith.constant 0 : i32
      %dma_wait3A_278 = tpu.memref_slice %arg9[%add3A_36, %dma_wait3A_277] : memref<10240x128xf32, #tpu.memory_space<vmem_shared>> -> memref<80x128xf32, #tpu.memory_space<vmem_shared>>
      %dma_wait3A_279 = arith.constant 0 : i32
      %dma_wait3A_280 = tpu.memref_slice %arg9[%add3A_36, %dma_wait3A_279] : memref<10240x128xf32, #tpu.memory_space<vmem_shared>> -> memref<80x128xf32, #tpu.memory_space<vmem_shared>>
      %dma_wait3A_281 = arith.constant 0 : i32
      %dma_wait3A_282 = arith.constant 0 : i32
      %dma_wait3A_283 = tpu.memref_slice %arg8[%dma_wait3A_281, %dma_wait3A_282] : memref<160x128xf32, #tpu.memory_space<vmem>> -> memref<80x128xf32, #tpu.memory_space<vmem>>
      tpu.wait_dma2 semaphore(%run_scoped3A_263 : memref<!tpu.dma_semaphore, #tpu.memory_space<semaphore_mem>>) src(%dma_wait3A_283 : memref<80x128xf32, #tpu.memory_space<vmem>>) dst(%dma_wait3A_280 : memref<80x128xf32, #tpu.memory_space<vmem_shared>>)
      tpu.yield
    }) : () -> ()
    %mul3A_37 = arith.constant 640 : i32
    %mul3A_38 = arith.muli %arg1, %mul3A_37 : i32
    %add3A_39 = arith.constant 480 : i32
    %add3A_40 = arith.addi %mul3A_38, %add3A_39 : i32
    "tpu.region"() ({
      %run_scoped3A_263 = tpu.sem_alloc : memref<!tpu.dma_semaphore, #tpu.memory_space<semaphore_mem>>
      %dma_start3A_264 = arith.constant 0 : i32
      %dma_start3A_265 = arith.constant 0 : i32
      %dma_start3A_266 = tpu.memref_slice %arg8[%dma_start3A_264, %dma_start3A_265] : memref<160x128xf32, #tpu.memory_space<vmem>> -> memref<80x128xf32, #tpu.memory_space<vmem>>
      %dma_start3A_267 = arith.constant 0 : i32
      %dma_start3A_268 = tpu.memref_slice %arg9[%add3A_40, %dma_start3A_267] : memref<10240x128xf32, #tpu.memory_space<vmem_shared>> -> memref<80x128xf32, #tpu.memory_space<vmem_shared>>
      %dma_start3A_269 = arith.constant 0 : i32
      %dma_start3A_270 = tpu.memref_slice %arg9[%add3A_40, %dma_start3A_269] : memref<10240x128xf32, #tpu.memory_space<vmem_shared>> -> memref<80x128xf32, #tpu.memory_space<vmem_shared>>
      %dma_start3A_271 = arith.constant 0 : i32
      %dma_start3A_272 = arith.constant 0 : i32
      %dma_start3A_273 = tpu.memref_slice %arg8[%dma_start3A_271, %dma_start3A_272] : memref<160x128xf32, #tpu.memory_space<vmem>> -> memref<80x128xf32, #tpu.memory_space<vmem>>
      tpu.enqueue_dma source(%dma_start3A_273 : memref<80x128xf32, #tpu.memory_space<vmem>>) target(%dma_start3A_270 : memref<80x128xf32, #tpu.memory_space<vmem_shared>>) target_semaphore(%run_scoped3A_263 : memref<!tpu.dma_semaphore, #tpu.memory_space<semaphore_mem>>)
      %dma_wait3A_274 = arith.constant 0 : i32
      %dma_wait3A_275 = arith.constant 0 : i32
      %dma_wait3A_276 = tpu.memref_slice %arg8[%dma_wait3A_274, %dma_wait3A_275] : memref<160x128xf32, #tpu.memory_space<vmem>> -> memref<80x128xf32, #tpu.memory_space<vmem>>
      %dma_wait3A_277 = arith.constant 0 : i32
      %dma_wait3A_278 = tpu.memref_slice %arg9[%add3A_40, %dma_wait3A_277] : memref<10240x128xf32, #tpu.memory_space<vmem_shared>> -> memref<80x128xf32, #tpu.memory_space<vmem_shared>>
      %dma_wait3A_279 = arith.constant 0 : i32
      %dma_wait3A_280 = tpu.memref_slice %arg9[%add3A_40, %dma_wait3A_279] : memref<10240x128xf32, #tpu.memory_space<vmem_shared>> -> memref<80x128xf32, #tpu.memory_space<vmem_shared>>
      %dma_wait3A_281 = arith.constant 0 : i32
      %dma_wait3A_282 = arith.constant 0 : i32
      %dma_wait3A_283 = tpu.memref_slice %arg8[%dma_wait3A_281, %dma_wait3A_282] : memref<160x128xf32, #tpu.memory_space<vmem>> -> memref<80x128xf32, #tpu.memory_space<vmem>>
      tpu.wait_dma2 semaphore(%run_scoped3A_263 : memref<!tpu.dma_semaphore, #tpu.memory_space<semaphore_mem>>) src(%dma_wait3A_283 : memref<80x128xf32, #tpu.memory_space<vmem>>) dst(%dma_wait3A_280 : memref<80x128xf32, #tpu.memory_space<vmem_shared>>)
      tpu.yield
    }) : () -> ()
    %mul3A_41 = arith.constant 640 : i32
    %mul3A_42 = arith.muli %arg1, %mul3A_41 : i32
    %add3A_43 = arith.constant 560 : i32
    %add3A_44 = arith.addi %mul3A_42, %add3A_43 : i32
    "tpu.region"() ({
      %run_scoped3A_263 = tpu.sem_alloc : memref<!tpu.dma_semaphore, #tpu.memory_space<semaphore_mem>>
      %dma_start3A_264 = arith.constant 0 : i32
      %dma_start3A_265 = arith.constant 0 : i32
      %dma_start3A_266 = tpu.memref_slice %arg8[%dma_start3A_264, %dma_start3A_265] : memref<160x128xf32, #tpu.memory_space<vmem>> -> memref<80x128xf32, #tpu.memory_space<vmem>>
      %dma_start3A_267 = arith.constant 0 : i32
      %dma_start3A_268 = tpu.memref_slice %arg9[%add3A_44, %dma_start3A_267] : memref<10240x128xf32, #tpu.memory_space<vmem_shared>> -> memref<80x128xf32, #tpu.memory_space<vmem_shared>>
      %dma_start3A_269 = arith.constant 0 : i32
      %dma_start3A_270 = tpu.memref_slice %arg9[%add3A_44, %dma_start3A_269] : memref<10240x128xf32, #tpu.memory_space<vmem_shared>> -> memref<80x128xf32, #tpu.memory_space<vmem_shared>>
      %dma_start3A_271 = arith.constant 0 : i32
      %dma_start3A_272 = arith.constant 0 : i32
      %dma_start3A_273 = tpu.memref_slice %arg8[%dma_start3A_271, %dma_start3A_272] : memref<160x128xf32, #tpu.memory_space<vmem>> -> memref<80x128xf32, #tpu.memory_space<vmem>>
      tpu.enqueue_dma source(%dma_start3A_273 : memref<80x128xf32, #tpu.memory_space<vmem>>) target(%dma_start3A_270 : memref<80x128xf32, #tpu.memory_space<vmem_shared>>) target_semaphore(%run_scoped3A_263 : memref<!tpu.dma_semaphore, #tpu.memory_space<semaphore_mem>>)
      %dma_wait3A_274 = arith.constant 0 : i32
      %dma_wait3A_275 = arith.constant 0 : i32
      %dma_wait3A_276 = tpu.memref_slice %arg8[%dma_wait3A_274, %dma_wait3A_275] : memref<160x128xf32, #tpu.memory_space<vmem>> -> memref<80x128xf32, #tpu.memory_space<vmem>>
      %dma_wait3A_277 = arith.constant 0 : i32
      %dma_wait3A_278 = tpu.memref_slice %arg9[%add3A_44, %dma_wait3A_277] : memref<10240x128xf32, #tpu.memory_space<vmem_shared>> -> memref<80x128xf32, #tpu.memory_space<vmem_shared>>
      %dma_wait3A_279 = arith.constant 0 : i32
      %dma_wait3A_280 = tpu.memref_slice %arg9[%add3A_44, %dma_wait3A_279] : memref<10240x128xf32, #tpu.memory_space<vmem_shared>> -> memref<80x128xf32, #tpu.memory_space<vmem_shared>>
      %dma_wait3A_281 = arith.constant 0 : i32
      %dma_wait3A_282 = arith.constant 0 : i32
      %dma_wait3A_283 = tpu.memref_slice %arg8[%dma_wait3A_281, %dma_wait3A_282] : memref<160x128xf32, #tpu.memory_space<vmem>> -> memref<80x128xf32, #tpu.memory_space<vmem>>
      tpu.wait_dma2 semaphore(%run_scoped3A_263 : memref<!tpu.dma_semaphore, #tpu.memory_space<semaphore_mem>>) src(%dma_wait3A_283 : memref<80x128xf32, #tpu.memory_space<vmem>>) dst(%dma_wait3A_280 : memref<80x128xf32, #tpu.memory_space<vmem_shared>>)
      tpu.yield
    }) : () -> ()
    %barrier3A = arith.constant 0 : index
    tpu.barrier barrier_id(%barrier3A)
    %add3A_45 = arith.constant 0 : i32
    %add3A_46 = arith.addi %sub3A_5, %add3A_45 : i32
    %add3A_47 = arith.constant 0 : i32
    %add3A_48 = arith.addi %add3A_46, %add3A_47 : i32
    %get3A = arith.constant 0 : i32
    %get3A_49 = arith.index_cast %get3A : i32 to index
    %get3A_50 = arith.index_cast %add3A_48 : i32 to index
    %get3A_51 = tpu.vector_load %arg5[%get3A_49, %get3A_50] {strides = array<i32>} : memref<2x10496xi32, #tpu.memory_space<vmem>>, vector<16xi32>,
    %swap3A = arith.constant 0 : i32
    %swap3A_52 = arith.index_cast %swap3A : i32 to index
    %swap3A_53 = arith.constant 0 : index
    %swap3A_54 = tpu.vector_load %arg6[%swap3A_52, %swap3A_53] {strides = array<i32>} : memref<2x80xi32, #tpu.memory_space<vmem>>, vector<16xi32>,
    tpu.vector_store %arg6[%swap3A_52, %swap3A_53], %get3A_51 {strides = array<i32>} : memref<2x80xi32, #tpu.memory_space<vmem>>, vector<16xi32>,
    %add3A_55 = arith.constant 0 : i32
    %add3A_56 = arith.addi %sub3A_5, %add3A_55 : i32
    %add3A_57 = arith.constant 16 : i32
    %add3A_58 = arith.addi %add3A_56, %add3A_57 : i32
    %get3A_59 = arith.constant 0 : i32
    %get3A_60 = arith.index_cast %get3A_59 : i32 to index
    %get3A_61 = arith.index_cast %add3A_58 : i32 to index
    %get3A_62 = tpu.vector_load %arg5[%get3A_60, %get3A_61] {strides = array<i32>} : memref<2x10496xi32, #tpu.memory_space<vmem>>, vector<16xi32>,
    %swap3A_63 = arith.constant 0 : i32
    %swap3A_64 = arith.index_cast %swap3A_63 : i32 to index
    %swap3A_65 = arith.constant 16 : index
    %swap3A_66 = tpu.vector_load %arg6[%swap3A_64, %swap3A_65] {strides = array<i32>} : memref<2x80xi32, #tpu.memory_space<vmem>>, vector<16xi32>,
    tpu.vector_store %arg6[%swap3A_64, %swap3A_65], %get3A_62 {strides = array<i32>} : memref<2x80xi32, #tpu.memory_space<vmem>>, vector<16xi32>,
    %add3A_67 = arith.constant 0 : i32
    %add3A_68 = arith.addi %sub3A_5, %add3A_67 : i32
    %add3A_69 = arith.constant 32 : i32
    %add3A_70 = arith.addi %add3A_68, %add3A_69 : i32
    %get3A_71 = arith.constant 0 : i32
    %get3A_72 = arith.index_cast %get3A_71 : i32 to index
    %get3A_73 = arith.index_cast %add3A_70 : i32 to index
    %get3A_74 = tpu.vector_load %arg5[%get3A_72, %get3A_73] {strides = array<i32>} : memref<2x10496xi32, #tpu.memory_space<vmem>>, vector<16xi32>,
    %swap3A_75 = arith.constant 0 : i32
    %swap3A_76 = arith.index_cast %swap3A_75 : i32 to index
    %swap3A_77 = arith.constant 32 : index
    %swap3A_78 = tpu.vector_load %arg6[%swap3A_76, %swap3A_77] {strides = array<i32>} : memref<2x80xi32, #tpu.memory_space<vmem>>, vector<16xi32>,
    tpu.vector_store %arg6[%swap3A_76, %swap3A_77], %get3A_74 {strides = array<i32>} : memref<2x80xi32, #tpu.memory_space<vmem>>, vector<16xi32>,
    %add3A_79 = arith.constant 0 : i32
    %add3A_80 = arith.addi %sub3A_5, %add3A_79 : i32
    %add3A_81 = arith.constant 48 : i32
    %add3A_82 = arith.addi %add3A_80, %add3A_81 : i32
    %get3A_83 = arith.constant 0 : i32
    %get3A_84 = arith.index_cast %get3A_83 : i32 to index
    %get3A_85 = arith.index_cast %add3A_82 : i32 to index
    %get3A_86 = tpu.vector_load %arg5[%get3A_84, %get3A_85] {strides = array<i32>} : memref<2x10496xi32, #tpu.memory_space<vmem>>, vector<16xi32>,
    %swap3A_87 = arith.constant 0 : i32
    %swap3A_88 = arith.index_cast %swap3A_87 : i32 to index
    %swap3A_89 = arith.constant 48 : index
    %swap3A_90 = tpu.vector_load %arg6[%swap3A_88, %swap3A_89] {strides = array<i32>} : memref<2x80xi32, #tpu.memory_space<vmem>>, vector<16xi32>,
    tpu.vector_store %arg6[%swap3A_88, %swap3A_89], %get3A_86 {strides = array<i32>} : memref<2x80xi32, #tpu.memory_space<vmem>>, vector<16xi32>,
    %add3A_91 = arith.constant 0 : i32
    %add3A_92 = arith.addi %sub3A_5, %add3A_91 : i32
    %add3A_93 = arith.constant 64 : i32
    %add3A_94 = arith.addi %add3A_92, %add3A_93 : i32
    %get3A_95 = arith.constant 0 : i32
    %get3A_96 = arith.index_cast %get3A_95 : i32 to index
    %get3A_97 = arith.index_cast %add3A_94 : i32 to index
    %get3A_98 = tpu.vector_load %arg5[%get3A_96, %get3A_97] {strides = array<i32>} : memref<2x10496xi32, #tpu.memory_space<vmem>>, vector<16xi32>,
    %swap3A_99 = arith.constant 0 : i32
    %swap3A_100 = arith.index_cast %swap3A_99 : i32 to index
    %swap3A_101 = arith.constant 64 : index
    %swap3A_102 = tpu.vector_load %arg6[%swap3A_100, %swap3A_101] {strides = array<i32>} : memref<2x80xi32, #tpu.memory_space<vmem>>, vector<16xi32>,
    tpu.vector_store %arg6[%swap3A_100, %swap3A_101], %get3A_98 {strides = array<i32>} : memref<2x80xi32, #tpu.memory_space<vmem>>, vector<16xi32>,
    %dma_start3A = arith.constant 0 : i32
    %dma_start3A_103 = arith.constant 0 : i32
    %dma_start3A_104 = arith.constant 0 : i32
    %dma_start3A_105 = tpu.memref_slice %arg8[%dma_start3A_103, %dma_start3A_104] : memref<160x128xf32, #tpu.memory_space<vmem>> -> memref<80x128xf32, #tpu.memory_space<vmem>>
    %dma_start3A_106 = arith.constant 0 : i32
    %dma_start3A_107 = tpu.memref_slice %arg6[%dma_start3A, %dma_start3A_106] : memref<2x80xi32, #tpu.memory_space<vmem>> -> memref<1x80xi32, #tpu.memory_space<vmem>>
    %dma_start3A_108 = tpu.memref_squeeze %dma_start3A_107 : memref<1x80xi32, #tpu.memory_space<vmem>> -> memref<80xi32, #tpu.memory_space<vmem>>
    %dma_start3A_109 = arith.constant 0 : i32
    %dma_start3A_110 = arith.constant 0 : i32
    %dma_start3A_111 = tpu.memref_slice %arg2[%dma_start3A_109, %dma_start3A_110] : memref<10000x128xf32, #tpu.memory_space<hbm>> -> memref<10000x128xf32, #tpu.memory_space<hbm>>
    tpu.enqueue_indirect_dma source(%dma_start3A_111 : memref<10000x128xf32, #tpu.memory_space<hbm>>) target(%dma_start3A_105 : memref<80x128xf32, #tpu.memory_space<vmem>>) offsets(%dma_start3A_108 : memref<80xi32, #tpu.memory_space<vmem>>) semaphore(%arg10 : memref<!tpu.dma_semaphore, #tpu.memory_space<semaphore_mem>>)
    %add3A_112 = arith.constant 80 : i32
    %add3A_113 = arith.addi %sub3A_5, %add3A_112 : i32
    %add3A_114 = arith.constant 0 : i32
    %add3A_115 = arith.addi %add3A_113, %add3A_114 : i32
    %get3A_116 = arith.constant 0 : i32
    %get3A_117 = arith.index_cast %get3A_116 : i32 to index
    %get3A_118 = arith.index_cast %add3A_115 : i32 to index
    %get3A_119 = tpu.vector_load %arg5[%get3A_117, %get3A_118] {strides = array<i32>} : memref<2x10496xi32, #tpu.memory_space<vmem>>, vector<16xi32>,
    %swap3A_120 = arith.constant 1 : i32
    %swap3A_121 = arith.index_cast %swap3A_120 : i32 to index
    %swap3A_122 = arith.constant 0 : index
    %swap3A_123 = tpu.vector_load %arg6[%swap3A_121, %swap3A_122] {strides = array<i32>} : memref<2x80xi32, #tpu.memory_space<vmem>>, vector<16xi32>,
    tpu.vector_store %arg6[%swap3A_121, %swap3A_122], %get3A_119 {strides = array<i32>} : memref<2x80xi32, #tpu.memory_space<vmem>>, vector<16xi32>,
    %add3A_124 = arith.constant 80 : i32
    %add3A_125 = arith.addi %sub3A_5, %add3A_124 : i32
    %add3A_126 = arith.constant 16 : i32
    %add3A_127 = arith.addi %add3A_125, %add3A_126 : i32
    %get3A_128 = arith.constant 0 : i32
    %get3A_129 = arith.index_cast %get3A_128 : i32 to index
    %get3A_130 = arith.index_cast %add3A_127 : i32 to index
    %get3A_131 = tpu.vector_load %arg5[%get3A_129, %get3A_130] {strides = array<i32>} : memref<2x10496xi32, #tpu.memory_space<vmem>>, vector<16xi32>,
    %swap3A_132 = arith.constant 1 : i32
    %swap3A_133 = arith.index_cast %swap3A_132 : i32 to index
    %swap3A_134 = arith.constant 16 : index
    %swap3A_135 = tpu.vector_load %arg6[%swap3A_133, %swap3A_134] {strides = array<i32>} : memref<2x80xi32, #tpu.memory_space<vmem>>, vector<16xi32>,
    tpu.vector_store %arg6[%swap3A_133, %swap3A_134], %get3A_131 {strides = array<i32>} : memref<2x80xi32, #tpu.memory_space<vmem>>, vector<16xi32>,
    %add3A_136 = arith.constant 80 : i32
    %add3A_137 = arith.addi %sub3A_5, %add3A_136 : i32
    %add3A_138 = arith.constant 32 : i32
    %add3A_139 = arith.addi %add3A_137, %add3A_138 : i32
    %get3A_140 = arith.constant 0 : i32
    %get3A_141 = arith.index_cast %get3A_140 : i32 to index
    %get3A_142 = arith.index_cast %add3A_139 : i32 to index
    %get3A_143 = tpu.vector_load %arg5[%get3A_141, %get3A_142] {strides = array<i32>} : memref<2x10496xi32, #tpu.memory_space<vmem>>, vector<16xi32>,
    %swap3A_144 = arith.constant 1 : i32
    %swap3A_145 = arith.index_cast %swap3A_144 : i32 to index
    %swap3A_146 = arith.constant 32 : index
    %swap3A_147 = tpu.vector_load %arg6[%swap3A_145, %swap3A_146] {strides = array<i32>} : memref<2x80xi32, #tpu.memory_space<vmem>>, vector<16xi32>,
    tpu.vector_store %arg6[%swap3A_145, %swap3A_146], %get3A_143 {strides = array<i32>} : memref<2x80xi32, #tpu.memory_space<vmem>>, vector<16xi32>,
    %add3A_148 = arith.constant 80 : i32
    %add3A_149 = arith.addi %sub3A_5, %add3A_148 : i32
    %add3A_150 = arith.constant 48 : i32
    %add3A_151 = arith.addi %add3A_149, %add3A_150 : i32
    %get3A_152 = arith.constant 0 : i32
    %get3A_153 = arith.index_cast %get3A_152 : i32 to index
    %get3A_154 = arith.index_cast %add3A_151 : i32 to index
    %get3A_155 = tpu.vector_load %arg5[%get3A_153, %get3A_154] {strides = array<i32>} : memref<2x10496xi32, #tpu.memory_space<vmem>>, vector<16xi32>,
    %swap3A_156 = arith.constant 1 : i32
    %swap3A_157 = arith.index_cast %swap3A_156 : i32 to index
    %swap3A_158 = arith.constant 48 : index
    %swap3A_159 = tpu.vector_load %arg6[%swap3A_157, %swap3A_158] {strides = array<i32>} : memref<2x80xi32, #tpu.memory_space<vmem>>, vector<16xi32>,
    tpu.vector_store %arg6[%swap3A_157, %swap3A_158], %get3A_155 {strides = array<i32>} : memref<2x80xi32, #tpu.memory_space<vmem>>, vector<16xi32>,
    %add3A_160 = arith.constant 80 : i32
    %add3A_161 = arith.addi %sub3A_5, %add3A_160 : i32
    %add3A_162 = arith.constant 64 : i32
    %add3A_163 = arith.addi %add3A_161, %add3A_162 : i32
    %get3A_164 = arith.constant 0 : i32
    %get3A_165 = arith.index_cast %get3A_164 : i32 to index
    %get3A_166 = arith.index_cast %add3A_163 : i32 to index
    %get3A_167 = tpu.vector_load %arg5[%get3A_165, %get3A_166] {strides = array<i32>} : memref<2x10496xi32, #tpu.memory_space<vmem>>, vector<16xi32>,
    %swap3A_168 = arith.constant 1 : i32
    %swap3A_169 = arith.index_cast %swap3A_168 : i32 to index
    %swap3A_170 = arith.constant 64 : index
    %swap3A_171 = tpu.vector_load %arg6[%swap3A_169, %swap3A_170] {strides = array<i32>} : memref<2x80xi32, #tpu.memory_space<vmem>>, vector<16xi32>,
    tpu.vector_store %arg6[%swap3A_169, %swap3A_170], %get3A_167 {strides = array<i32>} : memref<2x80xi32, #tpu.memory_space<vmem>>, vector<16xi32>,
    %dma_start3A_172 = arith.constant 1 : i32
    %dma_start3A_173 = arith.constant 80 : i32
    %dma_start3A_174 = arith.constant 0 : i32
    %dma_start3A_175 = tpu.memref_slice %arg8[%dma_start3A_173, %dma_start3A_174] : memref<160x128xf32, #tpu.memory_space<vmem>> -> memref<80x128xf32, #tpu.memory_space<vmem>>
    %dma_start3A_176 = arith.constant 0 : i32
    %dma_start3A_177 = tpu.memref_slice %arg6[%dma_start3A_172, %dma_start3A_176] : memref<2x80xi32, #tpu.memory_space<vmem>> -> memref<1x80xi32, #tpu.memory_space<vmem>>
    %dma_start3A_178 = tpu.memref_squeeze %dma_start3A_177 : memref<1x80xi32, #tpu.memory_space<vmem>> -> memref<80xi32, #tpu.memory_space<vmem>>
    %dma_start3A_179 = arith.constant 0 : i32
    %dma_start3A_180 = arith.constant 0 : i32
    %dma_start3A_181 = tpu.memref_slice %arg2[%dma_start3A_179, %dma_start3A_180] : memref<10000x128xf32, #tpu.memory_space<hbm>> -> memref<10000x128xf32, #tpu.memory_space<hbm>>
    tpu.enqueue_indirect_dma source(%dma_start3A_181 : memref<10000x128xf32, #tpu.memory_space<hbm>>) target(%dma_start3A_175 : memref<80x128xf32, #tpu.memory_space<vmem>>) offsets(%dma_start3A_178 : memref<80xi32, #tpu.memory_space<vmem>>) semaphore(%arg11 : memref<!tpu.dma_semaphore, #tpu.memory_space<semaphore_mem>>)
    %scan3A_182 = arith.constant 0 : i32
    %scan3A_183 = arith.constant 0 : i32
    %scan3A_184 = arith.constant 62 : i32
    %scan3A_185 = arith.addi %scan3A_183, %scan3A_184 : i32
    %scan3A_186 = arith.constant 1 : i32
    %scan3A_187 = scf.for %scan3A_263 = %scan3A_183 to %scan3A_185 step %scan3A_186 iter_args(%scan3A_264 = %scan3A_182) -> (i32)  : i32 {
      %mul3A_265 = arith.constant 2 : i32
      %mul3A_266 = arith.muli %scan3A_263, %mul3A_265 : i32
      %add3A_267 = arith.constant 0 : i32
      %add3A_268 = arith.addi %mul3A_266, %add3A_267 : i32
      %dma_wait3A_269 = arith.constant 0 : i32
      %dma_wait3A_270 = arith.constant 0 : i32
      %dma_wait3A_271 = arith.constant 0 : i32
      %dma_wait3A_272 = tpu.memref_slice %arg8[%dma_wait3A_270, %dma_wait3A_271] : memref<160x128xf32, #tpu.memory_space<vmem>> -> memref<80x128xf32, #tpu.memory_space<vmem>>
      %dma_wait3A_273 = arith.constant 0 : i32
      %dma_wait3A_274 = tpu.memref_slice %arg6[%dma_wait3A_269, %dma_wait3A_273] : memref<2x80xi32, #tpu.memory_space<vmem>> -> memref<1x80xi32, #tpu.memory_space<vmem>>
      %dma_wait3A_275 = tpu.memref_squeeze %dma_wait3A_274 : memref<1x80xi32, #tpu.memory_space<vmem>> -> memref<80xi32, #tpu.memory_space<vmem>>
      %dma_wait3A_276 = arith.constant 0 : i32
      %dma_wait3A_277 = arith.constant 0 : i32
      %dma_wait3A_278 = tpu.memref_slice %arg2[%dma_wait3A_276, %dma_wait3A_277] : memref<10000x128xf32, #tpu.memory_space<hbm>> -> memref<10000x128xf32, #tpu.memory_space<hbm>>
      tpu.wait_indirect_dma semaphore(%arg10 : memref<!tpu.dma_semaphore, #tpu.memory_space<semaphore_mem>>) src(%dma_wait3A_278 : memref<10000x128xf32, #tpu.memory_space<hbm>>) dst(%dma_wait3A_272 : memref<80x128xf32, #tpu.memory_space<vmem>>)
      %mul3A_279 = arith.constant 80 : i32
      %mul3A_280 = arith.muli %add3A_268, %mul3A_279 : i32
      %add3A_281 = arith.addi %sub3A_5, %mul3A_280 : i32
      %add3A_282 = arith.constant 0 : i32
      %add3A_283 = arith.addi %add3A_281, %add3A_282 : i32
      %get3A_284 = arith.constant 1 : i32
      %get3A_285 = arith.index_cast %get3A_284 : i32 to index
      %get3A_286 = arith.index_cast %add3A_283 : i32 to index
      %get3A_287 = tpu.vector_load %arg5[%get3A_285, %get3A_286] {strides = array<i32>} : memref<2x10496xi32, #tpu.memory_space<vmem>>, vector<16xi32>,
      %swap3A_288 = arith.constant 0 : i32
      %swap3A_289 = arith.index_cast %swap3A_288 : i32 to index
      %swap3A_290 = arith.constant 0 : index
      %swap3A_291 = tpu.vector_load %arg7[%swap3A_289, %swap3A_290] {strides = array<i32>} : memref<2x80xi32, #tpu.memory_space<vmem>>, vector<16xi32>,
      tpu.vector_store %arg7[%swap3A_289, %swap3A_290], %get3A_287 {strides = array<i32>} : memref<2x80xi32, #tpu.memory_space<vmem>>, vector<16xi32>,
      %mul3A_292 = arith.constant 80 : i32
      %mul3A_293 = arith.muli %add3A_268, %mul3A_292 : i32
      %add3A_294 = arith.addi %sub3A_5, %mul3A_293 : i32
      %add3A_295 = arith.constant 16 : i32
      %add3A_296 = arith.addi %add3A_294, %add3A_295 : i32
      %get3A_297 = arith.constant 1 : i32
      %get3A_298 = arith.index_cast %get3A_297 : i32 to index
      %get3A_299 = arith.index_cast %add3A_296 : i32 to index
      %get3A_300 = tpu.vector_load %arg5[%get3A_298, %get3A_299] {strides = array<i32>} : memref<2x10496xi32, #tpu.memory_space<vmem>>, vector<16xi32>,
      %swap3A_301 = arith.constant 0 : i32
      %swap3A_302 = arith.index_cast %swap3A_301 : i32 to index
      %swap3A_303 = arith.constant 16 : index
      %swap3A_304 = tpu.vector_load %arg7[%swap3A_302, %swap3A_303] {strides = array<i32>} : memref<2x80xi32, #tpu.memory_space<vmem>>, vector<16xi32>,
      tpu.vector_store %arg7[%swap3A_302, %swap3A_303], %get3A_300 {strides = array<i32>} : memref<2x80xi32, #tpu.memory_space<vmem>>, vector<16xi32>,
      %mul3A_305 = arith.constant 80 : i32
      %mul3A_306 = arith.muli %add3A_268, %mul3A_305 : i32
      %add3A_307 = arith.addi %sub3A_5, %mul3A_306 : i32
      %add3A_308 = arith.constant 32 : i32
      %add3A_309 = arith.addi %add3A_307, %add3A_308 : i32
      %get3A_310 = arith.constant 1 : i32
      %get3A_311 = arith.index_cast %get3A_310 : i32 to index
      %get3A_312 = arith.index_cast %add3A_309 : i32 to index
      %get3A_313 = tpu.vector_load %arg5[%get3A_311, %get3A_312] {strides = array<i32>} : memref<2x10496xi32, #tpu.memory_space<vmem>>, vector<16xi32>,
      %swap3A_314 = arith.constant 0 : i32
      %swap3A_315 = arith.index_cast %swap3A_314 : i32 to index
      %swap3A_316 = arith.constant 32 : index
      %swap3A_317 = tpu.vector_load %arg7[%swap3A_315, %swap3A_316] {strides = array<i32>} : memref<2x80xi32, #tpu.memory_space<vmem>>, vector<16xi32>,
      tpu.vector_store %arg7[%swap3A_315, %swap3A_316], %get3A_313 {strides = array<i32>} : memref<2x80xi32, #tpu.memory_space<vmem>>, vector<16xi32>,
      %mul3A_318 = arith.constant 80 : i32
      %mul3A_319 = arith.muli %add3A_268, %mul3A_318 : i32
      %add3A_320 = arith.addi %sub3A_5, %mul3A_319 : i32
      %add3A_321 = arith.constant 48 : i32
      %add3A_322 = arith.addi %add3A_320, %add3A_321 : i32
      %get3A_323 = arith.constant 1 : i32
      %get3A_324 = arith.index_cast %get3A_323 : i32 to index
      %get3A_325 = arith.index_cast %add3A_322 : i32 to index
      %get3A_326 = tpu.vector_load %arg5[%get3A_324, %get3A_325] {strides = array<i32>} : memref<2x10496xi32, #tpu.memory_space<vmem>>, vector<16xi32>,
      %swap3A_327 = arith.constant 0 : i32
      %swap3A_328 = arith.index_cast %swap3A_327 : i32 to index
      %swap3A_329 = arith.constant 48 : index
      %swap3A_330 = tpu.vector_load %arg7[%swap3A_328, %swap3A_329] {strides = array<i32>} : memref<2x80xi32, #tpu.memory_space<vmem>>, vector<16xi32>,
      tpu.vector_store %arg7[%swap3A_328, %swap3A_329], %get3A_326 {strides = array<i32>} : memref<2x80xi32, #tpu.memory_space<vmem>>, vector<16xi32>,
      %mul3A_331 = arith.constant 80 : i32
      %mul3A_332 = arith.muli %add3A_268, %mul3A_331 : i32
      %add3A_333 = arith.addi %sub3A_5, %mul3A_332 : i32
      %add3A_334 = arith.constant 64 : i32
      %add3A_335 = arith.addi %add3A_333, %add3A_334 : i32
      %get3A_336 = arith.constant 1 : i32
      %get3A_337 = arith.index_cast %get3A_336 : i32 to index
      %get3A_338 = arith.index_cast %add3A_335 : i32 to index
      %get3A_339 = tpu.vector_load %arg5[%get3A_337, %get3A_338] {strides = array<i32>} : memref<2x10496xi32, #tpu.memory_space<vmem>>, vector<16xi32>,
      %swap3A_340 = arith.constant 0 : i32
      %swap3A_341 = arith.index_cast %swap3A_340 : i32 to index
      %swap3A_342 = arith.constant 64 : index
      %swap3A_343 = tpu.vector_load %arg7[%swap3A_341, %swap3A_342] {strides = array<i32>} : memref<2x80xi32, #tpu.memory_space<vmem>>, vector<16xi32>,
      tpu.vector_store %arg7[%swap3A_341, %swap3A_342], %get3A_339 {strides = array<i32>} : memref<2x80xi32, #tpu.memory_space<vmem>>, vector<16xi32>,
      %run_scoped3A_344 = arith.constant 0 : i32
      "tpu.region"() ({
        %run_scoped3A_437 = tpu.sem_alloc : memref<!tpu.dma_semaphore, #tpu.memory_space<semaphore_mem>>
        %dma_start3A_438 = arith.constant 0 : i32
        %dma_start3A_439 = arith.constant 0 : i32
        %dma_start3A_440 = tpu.memref_slice %arg8[%dma_start3A_438, %dma_start3A_439] : memref<160x128xf32, #tpu.memory_space<vmem>> -> memref<80x128xf32, #tpu.memory_space<vmem>>
        %dma_start3A_441 = arith.constant 0 : i32
        %dma_start3A_442 = tpu.memref_slice %arg7[%run_scoped3A_344, %dma_start3A_441] : memref<2x80xi32, #tpu.memory_space<vmem>> -> memref<1x80xi32, #tpu.memory_space<vmem>>
        %dma_start3A_443 = tpu.memref_squeeze %dma_start3A_442 : memref<1x80xi32, #tpu.memory_space<vmem>> -> memref<80xi32, #tpu.memory_space<vmem>>
        %dma_start3A_444 = arith.constant 0 : i32
        %dma_start3A_445 = arith.constant 0 : i32
        %dma_start3A_446 = tpu.memref_slice %arg9[%dma_start3A_444, %dma_start3A_445] : memref<10240x128xf32, #tpu.memory_space<vmem_shared>> -> memref<10240x128xf32, #tpu.memory_space<vmem_shared>>
        tpu.enqueue_indirect_dma source(%dma_start3A_440 : memref<80x128xf32, #tpu.memory_space<vmem>>) target(%dma_start3A_446 : memref<10240x128xf32, #tpu.memory_space<vmem_shared>>) offsets(%dma_start3A_443 : memref<80xi32, #tpu.memory_space<vmem>>) semaphore(%run_scoped3A_437 : memref<!tpu.dma_semaphore, #tpu.memory_space<semaphore_mem>>) {add = true}
        %dma_wait3A_447 = arith.constant 0 : i32
        %dma_wait3A_448 = arith.constant 0 : i32
        %dma_wait3A_449 = tpu.memref_slice %arg8[%dma_wait3A_447, %dma_wait3A_448] : memref<160x128xf32, #tpu.memory_space<vmem>> -> memref<80x128xf32, #tpu.memory_space<vmem>>
        %dma_wait3A_450 = arith.constant 0 : i32
        %dma_wait3A_451 = tpu.memref_slice %arg7[%run_scoped3A_344, %dma_wait3A_450] : memref<2x80xi32, #tpu.memory_space<vmem>> -> memref<1x80xi32, #tpu.memory_space<vmem>>
        %dma_wait3A_452 = tpu.memref_squeeze %dma_wait3A_451 : memref<1x80xi32, #tpu.memory_space<vmem>> -> memref<80xi32, #tpu.memory_space<vmem>>
        %dma_wait3A_453 = arith.constant 0 : i32
        %dma_wait3A_454 = arith.constant 0 : i32
        %dma_wait3A_455 = tpu.memref_slice %arg9[%dma_wait3A_453, %dma_wait3A_454] : memref<10240x128xf32, #tpu.memory_space<vmem_shared>> -> memref<10240x128xf32, #tpu.memory_space<vmem_shared>>
        tpu.wait_indirect_dma semaphore(%run_scoped3A_437 : memref<!tpu.dma_semaphore, #tpu.memory_space<semaphore_mem>>) src(%dma_wait3A_449 : memref<80x128xf32, #tpu.memory_space<vmem>>) dst(%dma_wait3A_455 : memref<10240x128xf32, #tpu.memory_space<vmem_shared>>)
        tpu.yield
      }) : () -> ()
      %add3A_345 = arith.constant 2 : i32
      %add3A_346 = arith.addi %add3A_268, %add3A_345 : i32
      %lt3A = arith.constant 125 : i32
      %lt3A_347 = arith.cmpi slt, %add3A_346, %lt3A : i32
      %convert_element_type3A = arith.extui %lt3A_347 : i1 to i32
      %cond3A = arith.constant 0 : i32
      %cond3A_348 = arith.cmpi ne, %convert_element_type3A, %cond3A : i32
      scf.if %cond3A_348 {
        %add3A_437 = arith.constant 2 : i32
        %add3A_438 = arith.addi %add3A_268, %add3A_437 : i32
        %mul3A_439 = arith.constant 80 : i32
        %mul3A_440 = arith.muli %add3A_438, %mul3A_439 : i32
        %add3A_441 = arith.addi %sub3A_5, %mul3A_440 : i32
        %add3A_442 = arith.constant 0 : i32
        %add3A_443 = arith.addi %add3A_441, %add3A_442 : i32
        %get3A_444 = arith.constant 0 : i32
        %get3A_445 = arith.index_cast %get3A_444 : i32 to index
        %get3A_446 = arith.index_cast %add3A_443 : i32 to index
        %get3A_447 = tpu.vector_load %arg5[%get3A_445, %get3A_446] {strides = array<i32>} : memref<2x10496xi32, #tpu.memory_space<vmem>>, vector<16xi32>,
        %swap3A_448 = arith.constant 0 : i32
        %swap3A_449 = arith.index_cast %swap3A_448 : i32 to index
        %swap3A_450 = arith.constant 0 : index
        %swap3A_451 = tpu.vector_load %arg6[%swap3A_449, %swap3A_450] {strides = array<i32>} : memref<2x80xi32, #tpu.memory_space<vmem>>, vector<16xi32>,
        tpu.vector_store %arg6[%swap3A_449, %swap3A_450], %get3A_447 {strides = array<i32>} : memref<2x80xi32, #tpu.memory_space<vmem>>, vector<16xi32>,
        %mul3A_452 = arith.constant 80 : i32
        %mul3A_453 = arith.muli %add3A_438, %mul3A_452 : i32
        %add3A_454 = arith.addi %sub3A_5, %mul3A_453 : i32
        %add3A_455 = arith.constant 16 : i32
        %add3A_456 = arith.addi %add3A_454, %add3A_455 : i32
        %get3A_457 = arith.constant 0 : i32
        %get3A_458 = arith.index_cast %get3A_457 : i32 to index
        %get3A_459 = arith.index_cast %add3A_456 : i32 to index
        %get3A_460 = tpu.vector_load %arg5[%get3A_458, %get3A_459] {strides = array<i32>} : memref<2x10496xi32, #tpu.memory_space<vmem>>, vector<16xi32>,
        %swap3A_461 = arith.constant 0 : i32
        %swap3A_462 = arith.index_cast %swap3A_461 : i32 to index
        %swap3A_463 = arith.constant 16 : index
        %swap3A_464 = tpu.vector_load %arg6[%swap3A_462, %swap3A_463] {strides = array<i32>} : memref<2x80xi32, #tpu.memory_space<vmem>>, vector<16xi32>,
        tpu.vector_store %arg6[%swap3A_462, %swap3A_463], %get3A_460 {strides = array<i32>} : memref<2x80xi32, #tpu.memory_space<vmem>>, vector<16xi32>,
        %mul3A_465 = arith.constant 80 : i32
        %mul3A_466 = arith.muli %add3A_438, %mul3A_465 : i32
        %add3A_467 = arith.addi %sub3A_5, %mul3A_466 : i32
        %add3A_468 = arith.constant 32 : i32
        %add3A_469 = arith.addi %add3A_467, %add3A_468 : i32
        %get3A_470 = arith.constant 0 : i32
        %get3A_471 = arith.index_cast %get3A_470 : i32 to index
        %get3A_472 = arith.index_cast %add3A_469 : i32 to index
        %get3A_473 = tpu.vector_load %arg5[%get3A_471, %get3A_472] {strides = array<i32>} : memref<2x10496xi32, #tpu.memory_space<vmem>>, vector<16xi32>,
        %swap3A_474 = arith.constant 0 : i32
        %swap3A_475 = arith.index_cast %swap3A_474 : i32 to index
        %swap3A_476 = arith.constant 32 : index
        %swap3A_477 = tpu.vector_load %arg6[%swap3A_475, %swap3A_476] {strides = array<i32>} : memref<2x80xi32, #tpu.memory_space<vmem>>, vector<16xi32>,
        tpu.vector_store %arg6[%swap3A_475, %swap3A_476], %get3A_473 {strides = array<i32>} : memref<2x80xi32, #tpu.memory_space<vmem>>, vector<16xi32>,
        %mul3A_478 = arith.constant 80 : i32
        %mul3A_479 = arith.muli %add3A_438, %mul3A_478 : i32
        %add3A_480 = arith.addi %sub3A_5, %mul3A_479 : i32
        %add3A_481 = arith.constant 48 : i32
        %add3A_482 = arith.addi %add3A_480, %add3A_481 : i32
        %get3A_483 = arith.constant 0 : i32
        %get3A_484 = arith.index_cast %get3A_483 : i32 to index
        %get3A_485 = arith.index_cast %add3A_482 : i32 to index
        %get3A_486 = tpu.vector_load %arg5[%get3A_484, %get3A_485] {strides = array<i32>} : memref<2x10496xi32, #tpu.memory_space<vmem>>, vector<16xi32>,
        %swap3A_487 = arith.constant 0 : i32
        %swap3A_488 = arith.index_cast %swap3A_487 : i32 to index
        %swap3A_489 = arith.constant 48 : index
        %swap3A_490 = tpu.vector_load %arg6[%swap3A_488, %swap3A_489] {strides = array<i32>} : memref<2x80xi32, #tpu.memory_space<vmem>>, vector<16xi32>,
        tpu.vector_store %arg6[%swap3A_488, %swap3A_489], %get3A_486 {strides = array<i32>} : memref<2x80xi32, #tpu.memory_space<vmem>>, vector<16xi32>,
        %mul3A_491 = arith.constant 80 : i32
        %mul3A_492 = arith.muli %add3A_438, %mul3A_491 : i32
        %add3A_493 = arith.addi %sub3A_5, %mul3A_492 : i32
        %add3A_494 = arith.constant 64 : i32
        %add3A_495 = arith.addi %add3A_493, %add3A_494 : i32
        %get3A_496 = arith.constant 0 : i32
        %get3A_497 = arith.index_cast %get3A_496 : i32 to index
        %get3A_498 = arith.index_cast %add3A_495 : i32 to index
        %get3A_499 = tpu.vector_load %arg5[%get3A_497, %get3A_498] {strides = array<i32>} : memref<2x10496xi32, #tpu.memory_space<vmem>>, vector<16xi32>,
        %swap3A_500 = arith.constant 0 : i32
        %swap3A_501 = arith.index_cast %swap3A_500 : i32 to index
        %swap3A_502 = arith.constant 64 : index
        %swap3A_503 = tpu.vector_load %arg6[%swap3A_501, %swap3A_502] {strides = array<i32>} : memref<2x80xi32, #tpu.memory_space<vmem>>, vector<16xi32>,
        tpu.vector_store %arg6[%swap3A_501, %swap3A_502], %get3A_499 {strides = array<i32>} : memref<2x80xi32, #tpu.memory_space<vmem>>, vector<16xi32>,
        %dma_start3A_504 = arith.constant 0 : i32
        %dma_start3A_505 = arith.constant 0 : i32
        %dma_start3A_506 = arith.constant 0 : i32
        %dma_start3A_507 = tpu.memref_slice %arg8[%dma_start3A_505, %dma_start3A_506] : memref<160x128xf32, #tpu.memory_space<vmem>> -> memref<80x128xf32, #tpu.memory_space<vmem>>
        %dma_start3A_508 = arith.constant 0 : i32
        %dma_start3A_509 = tpu.memref_slice %arg6[%dma_start3A_504, %dma_start3A_508] : memref<2x80xi32, #tpu.memory_space<vmem>> -> memref<1x80xi32, #tpu.memory_space<vmem>>
        %dma_start3A_510 = tpu.memref_squeeze %dma_start3A_509 : memref<1x80xi32, #tpu.memory_space<vmem>> -> memref<80xi32, #tpu.memory_space<vmem>>
        %dma_start3A_511 = arith.constant 0 : i32
        %dma_start3A_512 = arith.constant 0 : i32
        %dma_start3A_513 = tpu.memref_slice %arg2[%dma_start3A_511, %dma_start3A_512] : memref<10000x128xf32, #tpu.memory_space<hbm>> -> memref<10000x128xf32, #tpu.memory_space<hbm>>
        tpu.enqueue_indirect_dma source(%dma_start3A_513 : memref<10000x128xf32, #tpu.memory_space<hbm>>) target(%dma_start3A_507 : memref<80x128xf32, #tpu.memory_space<vmem>>) offsets(%dma_start3A_510 : memref<80xi32, #tpu.memory_space<vmem>>) semaphore(%arg10 : memref<!tpu.dma_semaphore, #tpu.memory_space<semaphore_mem>>)
      } else {
      }
      %mul3A_349 = arith.constant 2 : i32
      %mul3A_350 = arith.muli %scan3A_263, %mul3A_349 : i32
      %add3A_351 = arith.constant 1 : i32
      %add3A_352 = arith.addi %mul3A_350, %add3A_351 : i32
      %dma_wait3A_353 = arith.constant 1 : i32
      %dma_wait3A_354 = arith.constant 80 : i32
      %dma_wait3A_355 = arith.constant 0 : i32
      %dma_wait3A_356 = tpu.memref_slice %arg8[%dma_wait3A_354, %dma_wait3A_355] : memref<160x128xf32, #tpu.memory_space<vmem>> -> memref<80x128xf32, #tpu.memory_space<vmem>>
      %dma_wait3A_357 = arith.constant 0 : i32
      %dma_wait3A_358 = tpu.memref_slice %arg6[%dma_wait3A_353, %dma_wait3A_357] : memref<2x80xi32, #tpu.memory_space<vmem>> -> memref<1x80xi32, #tpu.memory_space<vmem>>
      %dma_wait3A_359 = tpu.memref_squeeze %dma_wait3A_358 : memref<1x80xi32, #tpu.memory_space<vmem>> -> memref<80xi32, #tpu.memory_space<vmem>>
      %dma_wait3A_360 = arith.constant 0 : i32
      %dma_wait3A_361 = arith.constant 0 : i32
      %dma_wait3A_362 = tpu.memref_slice %arg2[%dma_wait3A_360, %dma_wait3A_361] : memref<10000x128xf32, #tpu.memory_space<hbm>> -> memref<10000x128xf32, #tpu.memory_space<hbm>>
      tpu.wait_indirect_dma semaphore(%arg11 : memref<!tpu.dma_semaphore, #tpu.memory_space<semaphore_mem>>) src(%dma_wait3A_362 : memref<10000x128xf32, #tpu.memory_space<hbm>>) dst(%dma_wait3A_356 : memref<80x128xf32, #tpu.memory_space<vmem>>)
      %mul3A_363 = arith.constant 80 : i32
      %mul3A_364 = arith.muli %add3A_352, %mul3A_363 : i32
      %add3A_365 = arith.addi %sub3A_5, %mul3A_364 : i32
      %add3A_366 = arith.constant 0 : i32
      %add3A_367 = arith.addi %add3A_365, %add3A_366 : i32
      %get3A_368 = arith.constant 1 : i32
      %get3A_369 = arith.index_cast %get3A_368 : i32 to index
      %get3A_370 = arith.index_cast %add3A_367 : i32 to index
      %get3A_371 = tpu.vector_load %arg5[%get3A_369, %get3A_370] {strides = array<i32>} : memref<2x10496xi32, #tpu.memory_space<vmem>>, vector<16xi32>,
      %swap3A_372 = arith.constant 1 : i32
      %swap3A_373 = arith.index_cast %swap3A_372 : i32 to index
      %swap3A_374 = arith.constant 0 : index
      %swap3A_375 = tpu.vector_load %arg7[%swap3A_373, %swap3A_374] {strides = array<i32>} : memref<2x80xi32, #tpu.memory_space<vmem>>, vector<16xi32>,
      tpu.vector_store %arg7[%swap3A_373, %swap3A_374], %get3A_371 {strides = array<i32>} : memref<2x80xi32, #tpu.memory_space<vmem>>, vector<16xi32>,
      %mul3A_376 = arith.constant 80 : i32
      %mul3A_377 = arith.muli %add3A_352, %mul3A_376 : i32
      %add3A_378 = arith.addi %sub3A_5, %mul3A_377 : i32
      %add3A_379 = arith.constant 16 : i32
      %add3A_380 = arith.addi %add3A_378, %add3A_379 : i32
      %get3A_381 = arith.constant 1 : i32
      %get3A_382 = arith.index_cast %get3A_381 : i32 to index
      %get3A_383 = arith.index_cast %add3A_380 : i32 to index
      %get3A_384 = tpu.vector_load %arg5[%get3A_382, %get3A_383] {strides = array<i32>} : memref<2x10496xi32, #tpu.memory_space<vmem>>, vector<16xi32>,
      %swap3A_385 = arith.constant 1 : i32
      %swap3A_386 = arith.index_cast %swap3A_385 : i32 to index
      %swap3A_387 = arith.constant 16 : index
      %swap3A_388 = tpu.vector_load %arg7[%swap3A_386, %swap3A_387] {strides = array<i32>} : memref<2x80xi32, #tpu.memory_space<vmem>>, vector<16xi32>,
      tpu.vector_store %arg7[%swap3A_386, %swap3A_387], %get3A_384 {strides = array<i32>} : memref<2x80xi32, #tpu.memory_space<vmem>>, vector<16xi32>,
      %mul3A_389 = arith.constant 80 : i32
      %mul3A_390 = arith.muli %add3A_352, %mul3A_389 : i32
      %add3A_391 = arith.addi %sub3A_5, %mul3A_390 : i32
      %add3A_392 = arith.constant 32 : i32
      %add3A_393 = arith.addi %add3A_391, %add3A_392 : i32
      %get3A_394 = arith.constant 1 : i32
      %get3A_395 = arith.index_cast %get3A_394 : i32 to index
      %get3A_396 = arith.index_cast %add3A_393 : i32 to index
      %get3A_397 = tpu.vector_load %arg5[%get3A_395, %get3A_396] {strides = array<i32>} : memref<2x10496xi32, #tpu.memory_space<vmem>>, vector<16xi32>,
      %swap3A_398 = arith.constant 1 : i32
      %swap3A_399 = arith.index_cast %swap3A_398 : i32 to index
      %swap3A_400 = arith.constant 32 : index
      %swap3A_401 = tpu.vector_load %arg7[%swap3A_399, %swap3A_400] {strides = array<i32>} : memref<2x80xi32, #tpu.memory_space<vmem>>, vector<16xi32>,
      tpu.vector_store %arg7[%swap3A_399, %swap3A_400], %get3A_397 {strides = array<i32>} : memref<2x80xi32, #tpu.memory_space<vmem>>, vector<16xi32>,
      %mul3A_402 = arith.constant 80 : i32
      %mul3A_403 = arith.muli %add3A_352, %mul3A_402 : i32
      %add3A_404 = arith.addi %sub3A_5, %mul3A_403 : i32
      %add3A_405 = arith.constant 48 : i32
      %add3A_406 = arith.addi %add3A_404, %add3A_405 : i32
      %get3A_407 = arith.constant 1 : i32
      %get3A_408 = arith.index_cast %get3A_407 : i32 to index
      %get3A_409 = arith.index_cast %add3A_406 : i32 to index
      %get3A_410 = tpu.vector_load %arg5[%get3A_408, %get3A_409] {strides = array<i32>} : memref<2x10496xi32, #tpu.memory_space<vmem>>, vector<16xi32>,
      %swap3A_411 = arith.constant 1 : i32
      %swap3A_412 = arith.index_cast %swap3A_411 : i32 to index
      %swap3A_413 = arith.constant 48 : index
      %swap3A_414 = tpu.vector_load %arg7[%swap3A_412, %swap3A_413] {strides = array<i32>} : memref<2x80xi32, #tpu.memory_space<vmem>>, vector<16xi32>,
      tpu.vector_store %arg7[%swap3A_412, %swap3A_413], %get3A_410 {strides = array<i32>} : memref<2x80xi32, #tpu.memory_space<vmem>>, vector<16xi32>,
      %mul3A_415 = arith.constant 80 : i32
      %mul3A_416 = arith.muli %add3A_352, %mul3A_415 : i32
      %add3A_417 = arith.addi %sub3A_5, %mul3A_416 : i32
      %add3A_418 = arith.constant 64 : i32
      %add3A_419 = arith.addi %add3A_417, %add3A_418 : i32
      %get3A_420 = arith.constant 1 : i32
      %get3A_421 = arith.index_cast %get3A_420 : i32 to index
      %get3A_422 = arith.index_cast %add3A_419 : i32 to index
      %get3A_423 = tpu.vector_load %arg5[%get3A_421, %get3A_422] {strides = array<i32>} : memref<2x10496xi32, #tpu.memory_space<vmem>>, vector<16xi32>,
      %swap3A_424 = arith.constant 1 : i32
      %swap3A_425 = arith.index_cast %swap3A_424 : i32 to index
      %swap3A_426 = arith.constant 64 : index
      %swap3A_427 = tpu.vector_load %arg7[%swap3A_425, %swap3A_426] {strides = array<i32>} : memref<2x80xi32, #tpu.memory_space<vmem>>, vector<16xi32>,
      tpu.vector_store %arg7[%swap3A_425, %swap3A_426], %get3A_423 {strides = array<i32>} : memref<2x80xi32, #tpu.memory_space<vmem>>, vector<16xi32>,
      %run_scoped3A_428 = arith.constant 1 : i32
      "tpu.region"() ({
        %run_scoped3A_437 = tpu.sem_alloc : memref<!tpu.dma_semaphore, #tpu.memory_space<semaphore_mem>>
        %dma_start3A_438 = arith.constant 80 : i32
        %dma_start3A_439 = arith.constant 0 : i32
        %dma_start3A_440 = tpu.memref_slice %arg8[%dma_start3A_438, %dma_start3A_439] : memref<160x128xf32, #tpu.memory_space<vmem>> -> memref<80x128xf32, #tpu.memory_space<vmem>>
        %dma_start3A_441 = arith.constant 0 : i32
        %dma_start3A_442 = tpu.memref_slice %arg7[%run_scoped3A_428, %dma_start3A_441] : memref<2x80xi32, #tpu.memory_space<vmem>> -> memref<1x80xi32, #tpu.memory_space<vmem>>
        %dma_start3A_443 = tpu.memref_squeeze %dma_start3A_442 : memref<1x80xi32, #tpu.memory_space<vmem>> -> memref<80xi32, #tpu.memory_space<vmem>>
        %dma_start3A_444 = arith.constant 0 : i32
        %dma_start3A_445 = arith.constant 0 : i32
        %dma_start3A_446 = tpu.memref_slice %arg9[%dma_start3A_444, %dma_start3A_445] : memref<10240x128xf32, #tpu.memory_space<vmem_shared>> -> memref<10240x128xf32, #tpu.memory_space<vmem_shared>>
        tpu.enqueue_indirect_dma source(%dma_start3A_440 : memref<80x128xf32, #tpu.memory_space<vmem>>) target(%dma_start3A_446 : memref<10240x128xf32, #tpu.memory_space<vmem_shared>>) offsets(%dma_start3A_443 : memref<80xi32, #tpu.memory_space<vmem>>) semaphore(%run_scoped3A_437 : memref<!tpu.dma_semaphore, #tpu.memory_space<semaphore_mem>>) {add = true}
        %dma_wait3A_447 = arith.constant 80 : i32
        %dma_wait3A_448 = arith.constant 0 : i32
        %dma_wait3A_449 = tpu.memref_slice %arg8[%dma_wait3A_447, %dma_wait3A_448] : memref<160x128xf32, #tpu.memory_space<vmem>> -> memref<80x128xf32, #tpu.memory_space<vmem>>
        %dma_wait3A_450 = arith.constant 0 : i32
        %dma_wait3A_451 = tpu.memref_slice %arg7[%run_scoped3A_428, %dma_wait3A_450] : memref<2x80xi32, #tpu.memory_space<vmem>> -> memref<1x80xi32, #tpu.memory_space<vmem>>
        %dma_wait3A_452 = tpu.memref_squeeze %dma_wait3A_451 : memref<1x80xi32, #tpu.memory_space<vmem>> -> memref<80xi32, #tpu.memory_space<vmem>>
        %dma_wait3A_453 = arith.constant 0 : i32
        %dma_wait3A_454 = arith.constant 0 : i32
        %dma_wait3A_455 = tpu.memref_slice %arg9[%dma_wait3A_453, %dma_wait3A_454] : memref<10240x128xf32, #tpu.memory_space<vmem_shared>> -> memref<10240x128xf32, #tpu.memory_space<vmem_shared>>
        tpu.wait_indirect_dma semaphore(%run_scoped3A_437 : memref<!tpu.dma_semaphore, #tpu.memory_space<semaphore_mem>>) src(%dma_wait3A_449 : memref<80x128xf32, #tpu.memory_space<vmem>>) dst(%dma_wait3A_455 : memref<10240x128xf32, #tpu.memory_space<vmem_shared>>)
        tpu.yield
      }) : () -> ()
      %add3A_429 = arith.constant 2 : i32
      %add3A_430 = arith.addi %add3A_352, %add3A_429 : i32
      %lt3A_431 = arith.constant 125 : i32
      %lt3A_432 = arith.cmpi slt, %add3A_430, %lt3A_431 : i32
      %convert_element_type3A_433 = arith.extui %lt3A_432 : i1 to i32
      %cond3A_434 = arith.constant 0 : i32
      %cond3A_435 = arith.cmpi ne, %convert_element_type3A_433, %cond3A_434 : i32
      scf.if %cond3A_435 {
        %add3A_437 = arith.constant 2 : i32
        %add3A_438 = arith.addi %add3A_352, %add3A_437 : i32
        %mul3A_439 = arith.constant 80 : i32
        %mul3A_440 = arith.muli %add3A_438, %mul3A_439 : i32
        %add3A_441 = arith.addi %sub3A_5, %mul3A_440 : i32
        %add3A_442 = arith.constant 0 : i32
        %add3A_443 = arith.addi %add3A_441, %add3A_442 : i32
        %get3A_444 = arith.constant 0 : i32
        %get3A_445 = arith.index_cast %get3A_444 : i32 to index
        %get3A_446 = arith.index_cast %add3A_443 : i32 to index
        %get3A_447 = tpu.vector_load %arg5[%get3A_445, %get3A_446] {strides = array<i32>} : memref<2x10496xi32, #tpu.memory_space<vmem>>, vector<16xi32>,
        %swap3A_448 = arith.constant 1 : i32
        %swap3A_449 = arith.index_cast %swap3A_448 : i32 to index
        %swap3A_450 = arith.constant 0 : index
        %swap3A_451 = tpu.vector_load %arg6[%swap3A_449, %swap3A_450] {strides = array<i32>} : memref<2x80xi32, #tpu.memory_space<vmem>>, vector<16xi32>,
        tpu.vector_store %arg6[%swap3A_449, %swap3A_450], %get3A_447 {strides = array<i32>} : memref<2x80xi32, #tpu.memory_space<vmem>>, vector<16xi32>,
        %mul3A_452 = arith.constant 80 : i32
        %mul3A_453 = arith.muli %add3A_438, %mul3A_452 : i32
        %add3A_454 = arith.addi %sub3A_5, %mul3A_453 : i32
        %add3A_455 = arith.constant 16 : i32
        %add3A_456 = arith.addi %add3A_454, %add3A_455 : i32
        %get3A_457 = arith.constant 0 : i32
        %get3A_458 = arith.index_cast %get3A_457 : i32 to index
        %get3A_459 = arith.index_cast %add3A_456 : i32 to index
        %get3A_460 = tpu.vector_load %arg5[%get3A_458, %get3A_459] {strides = array<i32>} : memref<2x10496xi32, #tpu.memory_space<vmem>>, vector<16xi32>,
        %swap3A_461 = arith.constant 1 : i32
        %swap3A_462 = arith.index_cast %swap3A_461 : i32 to index
        %swap3A_463 = arith.constant 16 : index
        %swap3A_464 = tpu.vector_load %arg6[%swap3A_462, %swap3A_463] {strides = array<i32>} : memref<2x80xi32, #tpu.memory_space<vmem>>, vector<16xi32>,
        tpu.vector_store %arg6[%swap3A_462, %swap3A_463], %get3A_460 {strides = array<i32>} : memref<2x80xi32, #tpu.memory_space<vmem>>, vector<16xi32>,
        %mul3A_465 = arith.constant 80 : i32
        %mul3A_466 = arith.muli %add3A_438, %mul3A_465 : i32
        %add3A_467 = arith.addi %sub3A_5, %mul3A_466 : i32
        %add3A_468 = arith.constant 32 : i32
        %add3A_469 = arith.addi %add3A_467, %add3A_468 : i32
        %get3A_470 = arith.constant 0 : i32
        %get3A_471 = arith.index_cast %get3A_470 : i32 to index
        %get3A_472 = arith.index_cast %add3A_469 : i32 to index
        %get3A_473 = tpu.vector_load %arg5[%get3A_471, %get3A_472] {strides = array<i32>} : memref<2x10496xi32, #tpu.memory_space<vmem>>, vector<16xi32>,
        %swap3A_474 = arith.constant 1 : i32
        %swap3A_475 = arith.index_cast %swap3A_474 : i32 to index
        %swap3A_476 = arith.constant 32 : index
        %swap3A_477 = tpu.vector_load %arg6[%swap3A_475, %swap3A_476] {strides = array<i32>} : memref<2x80xi32, #tpu.memory_space<vmem>>, vector<16xi32>,
        tpu.vector_store %arg6[%swap3A_475, %swap3A_476], %get3A_473 {strides = array<i32>} : memref<2x80xi32, #tpu.memory_space<vmem>>, vector<16xi32>,
        %mul3A_478 = arith.constant 80 : i32
        %mul3A_479 = arith.muli %add3A_438, %mul3A_478 : i32
        %add3A_480 = arith.addi %sub3A_5, %mul3A_479 : i32
        %add3A_481 = arith.constant 48 : i32
        %add3A_482 = arith.addi %add3A_480, %add3A_481 : i32
        %get3A_483 = arith.constant 0 : i32
        %get3A_484 = arith.index_cast %get3A_483 : i32 to index
        %get3A_485 = arith.index_cast %add3A_482 : i32 to index
        %get3A_486 = tpu.vector_load %arg5[%get3A_484, %get3A_485] {strides = array<i32>} : memref<2x10496xi32, #tpu.memory_space<vmem>>, vector<16xi32>,
        %swap3A_487 = arith.constant 1 : i32
        %swap3A_488 = arith.index_cast %swap3A_487 : i32 to index
        %swap3A_489 = arith.constant 48 : index
        %swap3A_490 = tpu.vector_load %arg6[%swap3A_488, %swap3A_489] {strides = array<i32>} : memref<2x80xi32, #tpu.memory_space<vmem>>, vector<16xi32>,
        tpu.vector_store %arg6[%swap3A_488, %swap3A_489], %get3A_486 {strides = array<i32>} : memref<2x80xi32, #tpu.memory_space<vmem>>, vector<16xi32>,
        %mul3A_491 = arith.constant 80 : i32
        %mul3A_492 = arith.muli %add3A_438, %mul3A_491 : i32
        %add3A_493 = arith.addi %sub3A_5, %mul3A_492 : i32
        %add3A_494 = arith.constant 64 : i32
        %add3A_495 = arith.addi %add3A_493, %add3A_494 : i32
        %get3A_496 = arith.constant 0 : i32
        %get3A_497 = arith.index_cast %get3A_496 : i32 to index
        %get3A_498 = arith.index_cast %add3A_495 : i32 to index
        %get3A_499 = tpu.vector_load %arg5[%get3A_497, %get3A_498] {strides = array<i32>} : memref<2x10496xi32, #tpu.memory_space<vmem>>, vector<16xi32>,
        %swap3A_500 = arith.constant 1 : i32
        %swap3A_501 = arith.index_cast %swap3A_500 : i32 to index
        %swap3A_502 = arith.constant 64 : index
        %swap3A_503 = tpu.vector_load %arg6[%swap3A_501, %swap3A_502] {strides = array<i32>} : memref<2x80xi32, #tpu.memory_space<vmem>>, vector<16xi32>,
        tpu.vector_store %arg6[%swap3A_501, %swap3A_502], %get3A_499 {strides = array<i32>} : memref<2x80xi32, #tpu.memory_space<vmem>>, vector<16xi32>,
        %dma_start3A_504 = arith.constant 1 : i32
        %dma_start3A_505 = arith.constant 80 : i32
        %dma_start3A_506 = arith.constant 0 : i32
        %dma_start3A_507 = tpu.memref_slice %arg8[%dma_start3A_505, %dma_start3A_506] : memref<160x128xf32, #tpu.memory_space<vmem>> -> memref<80x128xf32, #tpu.memory_space<vmem>>
        %dma_start3A_508 = arith.constant 0 : i32
        %dma_start3A_509 = tpu.memref_slice %arg6[%dma_start3A_504, %dma_start3A_508] : memref<2x80xi32, #tpu.memory_space<vmem>> -> memref<1x80xi32, #tpu.memory_space<vmem>>
        %dma_start3A_510 = tpu.memref_squeeze %dma_start3A_509 : memref<1x80xi32, #tpu.memory_space<vmem>> -> memref<80xi32, #tpu.memory_space<vmem>>
        %dma_start3A_511 = arith.constant 0 : i32
        %dma_start3A_512 = arith.constant 0 : i32
        %dma_start3A_513 = tpu.memref_slice %arg2[%dma_start3A_511, %dma_start3A_512] : memref<10000x128xf32, #tpu.memory_space<hbm>> -> memref<10000x128xf32, #tpu.memory_space<hbm>>
        tpu.enqueue_indirect_dma source(%dma_start3A_513 : memref<10000x128xf32, #tpu.memory_space<hbm>>) target(%dma_start3A_507 : memref<80x128xf32, #tpu.memory_space<vmem>>) offsets(%dma_start3A_510 : memref<80xi32, #tpu.memory_space<vmem>>) semaphore(%arg11 : memref<!tpu.dma_semaphore, #tpu.memory_space<semaphore_mem>>)
      } else {
      }
      %scan3A_436 = arith.constant 0 : i32
      scf.yield %scan3A_436 : i32
    }
    %scan3A_188 = arith.constant 62 : i32
    %dma_wait3A = arith.constant 0 : i32
    %dma_wait3A_189 = arith.constant 0 : i32
    %dma_wait3A_190 = arith.constant 0 : i32
    %dma_wait3A_191 = tpu.memref_slice %arg8[%dma_wait3A_189, %dma_wait3A_190] : memref<160x128xf32, #tpu.memory_space<vmem>> -> memref<80x128xf32, #tpu.memory_space<vmem>>
    %dma_wait3A_192 = arith.constant 0 : i32
    %dma_wait3A_193 = tpu.memref_slice %arg6[%dma_wait3A, %dma_wait3A_192] : memref<2x80xi32, #tpu.memory_space<vmem>> -> memref<1x80xi32, #tpu.memory_space<vmem>>
    %dma_wait3A_194 = tpu.memref_squeeze %dma_wait3A_193 : memref<1x80xi32, #tpu.memory_space<vmem>> -> memref<80xi32, #tpu.memory_space<vmem>>
    %dma_wait3A_195 = arith.constant 0 : i32
    %dma_wait3A_196 = arith.constant 0 : i32
    %dma_wait3A_197 = tpu.memref_slice %arg2[%dma_wait3A_195, %dma_wait3A_196] : memref<10000x128xf32, #tpu.memory_space<hbm>> -> memref<10000x128xf32, #tpu.memory_space<hbm>>
    tpu.wait_indirect_dma semaphore(%arg10 : memref<!tpu.dma_semaphore, #tpu.memory_space<semaphore_mem>>) src(%dma_wait3A_197 : memref<10000x128xf32, #tpu.memory_space<hbm>>) dst(%dma_wait3A_191 : memref<80x128xf32, #tpu.memory_space<vmem>>)
    %add3A_198 = arith.constant 9920 : i32
    %add3A_199 = arith.addi %sub3A_5, %add3A_198 : i32
    %add3A_200 = arith.constant 0 : i32
    %add3A_201 = arith.addi %add3A_199, %add3A_200 : i32
    %get3A_202 = arith.constant 1 : i32
    %get3A_203 = arith.index_cast %get3A_202 : i32 to index
    %get3A_204 = arith.index_cast %add3A_201 : i32 to index
    %get3A_205 = tpu.vector_load %arg5[%get3A_203, %get3A_204] {strides = array<i32>} : memref<2x10496xi32, #tpu.memory_space<vmem>>, vector<16xi32>,
    %swap3A_206 = arith.constant 0 : i32
    %swap3A_207 = arith.index_cast %swap3A_206 : i32 to index
    %swap3A_208 = arith.constant 0 : index
    %swap3A_209 = tpu.vector_load %arg7[%swap3A_207, %swap3A_208] {strides = array<i32>} : memref<2x80xi32, #tpu.memory_space<vmem>>, vector<16xi32>,
    tpu.vector_store %arg7[%swap3A_207, %swap3A_208], %get3A_205 {strides = array<i32>} : memref<2x80xi32, #tpu.memory_space<vmem>>, vector<16xi32>,
    %add3A_210 = arith.constant 9920 : i32
    %add3A_211 = arith.addi %sub3A_5, %add3A_210 : i32
    %add3A_212 = arith.constant 16 : i32
    %add3A_213 = arith.addi %add3A_211, %add3A_212 : i32
    %get3A_214 = arith.constant 1 : i32
    %get3A_215 = arith.index_cast %get3A_214 : i32 to index
    %get3A_216 = arith.index_cast %add3A_213 : i32 to index
    %get3A_217 = tpu.vector_load %arg5[%get3A_215, %get3A_216] {strides = array<i32>} : memref<2x10496xi32, #tpu.memory_space<vmem>>, vector<16xi32>,
    %swap3A_218 = arith.constant 0 : i32
    %swap3A_219 = arith.index_cast %swap3A_218 : i32 to index
    %swap3A_220 = arith.constant 16 : index
    %swap3A_221 = tpu.vector_load %arg7[%swap3A_219, %swap3A_220] {strides = array<i32>} : memref<2x80xi32, #tpu.memory_space<vmem>>, vector<16xi32>,
    tpu.vector_store %arg7[%swap3A_219, %swap3A_220], %get3A_217 {strides = array<i32>} : memref<2x80xi32, #tpu.memory_space<vmem>>, vector<16xi32>,
    %add3A_222 = arith.constant 9920 : i32
    %add3A_223 = arith.addi %sub3A_5, %add3A_222 : i32
    %add3A_224 = arith.constant 32 : i32
    %add3A_225 = arith.addi %add3A_223, %add3A_224 : i32
    %get3A_226 = arith.constant 1 : i32
    %get3A_227 = arith.index_cast %get3A_226 : i32 to index
    %get3A_228 = arith.index_cast %add3A_225 : i32 to index
    %get3A_229 = tpu.vector_load %arg5[%get3A_227, %get3A_228] {strides = array<i32>} : memref<2x10496xi32, #tpu.memory_space<vmem>>, vector<16xi32>,
    %swap3A_230 = arith.constant 0 : i32
    %swap3A_231 = arith.index_cast %swap3A_230 : i32 to index
    %swap3A_232 = arith.constant 32 : index
    %swap3A_233 = tpu.vector_load %arg7[%swap3A_231, %swap3A_232] {strides = array<i32>} : memref<2x80xi32, #tpu.memory_space<vmem>>, vector<16xi32>,
    tpu.vector_store %arg7[%swap3A_231, %swap3A_232], %get3A_229 {strides = array<i32>} : memref<2x80xi32, #tpu.memory_space<vmem>>, vector<16xi32>,
    %add3A_234 = arith.constant 9920 : i32
    %add3A_235 = arith.addi %sub3A_5, %add3A_234 : i32
    %add3A_236 = arith.constant 48 : i32
    %add3A_237 = arith.addi %add3A_235, %add3A_236 : i32
    %get3A_238 = arith.constant 1 : i32
    %get3A_239 = arith.index_cast %get3A_238 : i32 to index
    %get3A_240 = arith.index_cast %add3A_237 : i32 to index
    %get3A_241 = tpu.vector_load %arg5[%get3A_239, %get3A_240] {strides = array<i32>} : memref<2x10496xi32, #tpu.memory_space<vmem>>, vector<16xi32>,
    %swap3A_242 = arith.constant 0 : i32
    %swap3A_243 = arith.index_cast %swap3A_242 : i32 to index
    %swap3A_244 = arith.constant 48 : index
    %swap3A_245 = tpu.vector_load %arg7[%swap3A_243, %swap3A_244] {strides = array<i32>} : memref<2x80xi32, #tpu.memory_space<vmem>>, vector<16xi32>,
    tpu.vector_store %arg7[%swap3A_243, %swap3A_244], %get3A_241 {strides = array<i32>} : memref<2x80xi32, #tpu.memory_space<vmem>>, vector<16xi32>,
    %add3A_246 = arith.constant 9920 : i32
    %add3A_247 = arith.addi %sub3A_5, %add3A_246 : i32
    %add3A_248 = arith.constant 64 : i32
    %add3A_249 = arith.addi %add3A_247, %add3A_248 : i32
    %get3A_250 = arith.constant 1 : i32
    %get3A_251 = arith.index_cast %get3A_250 : i32 to index
    %get3A_252 = arith.index_cast %add3A_249 : i32 to index
    %get3A_253 = tpu.vector_load %arg5[%get3A_251, %get3A_252] {strides = array<i32>} : memref<2x10496xi32, #tpu.memory_space<vmem>>, vector<16xi32>,
    %swap3A_254 = arith.constant 0 : i32
    %swap3A_255 = arith.index_cast %swap3A_254 : i32 to index
    %swap3A_256 = arith.constant 64 : index
    %swap3A_257 = tpu.vector_load %arg7[%swap3A_255, %swap3A_256] {strides = array<i32>} : memref<2x80xi32, #tpu.memory_space<vmem>>, vector<16xi32>,
    tpu.vector_store %arg7[%swap3A_255, %swap3A_256], %get3A_253 {strides = array<i32>} : memref<2x80xi32, #tpu.memory_space<vmem>>, vector<16xi32>,
    %run_scoped3A = arith.constant 0 : i32
    "tpu.region"() ({
      %run_scoped3A_263 = tpu.sem_alloc : memref<!tpu.dma_semaphore, #tpu.memory_space<semaphore_mem>>
      %dma_start3A_264 = arith.constant 0 : i32
      %dma_start3A_265 = arith.constant 0 : i32
      %dma_start3A_266 = tpu.memref_slice %arg8[%dma_start3A_264, %dma_start3A_265] : memref<160x128xf32, #tpu.memory_space<vmem>> -> memref<80x128xf32, #tpu.memory_space<vmem>>
      %dma_start3A_267 = arith.constant 0 : i32
      %dma_start3A_268 = tpu.memref_slice %arg7[%run_scoped3A, %dma_start3A_267] : memref<2x80xi32, #tpu.memory_space<vmem>> -> memref<1x80xi32, #tpu.memory_space<vmem>>
      %dma_start3A_269 = tpu.memref_squeeze %dma_start3A_268 : memref<1x80xi32, #tpu.memory_space<vmem>> -> memref<80xi32, #tpu.memory_space<vmem>>
      %dma_start3A_270 = arith.constant 0 : i32
      %dma_start3A_271 = arith.constant 0 : i32
      %dma_start3A_272 = tpu.memref_slice %arg9[%dma_start3A_270, %dma_start3A_271] : memref<10240x128xf32, #tpu.memory_space<vmem_shared>> -> memref<10240x128xf32, #tpu.memory_space<vmem_shared>>
      tpu.enqueue_indirect_dma source(%dma_start3A_266 : memref<80x128xf32, #tpu.memory_space<vmem>>) target(%dma_start3A_272 : memref<10240x128xf32, #tpu.memory_space<vmem_shared>>) offsets(%dma_start3A_269 : memref<80xi32, #tpu.memory_space<vmem>>) semaphore(%run_scoped3A_263 : memref<!tpu.dma_semaphore, #tpu.memory_space<semaphore_mem>>) {add = true}
      %dma_wait3A_273 = arith.constant 0 : i32
      %dma_wait3A_274 = arith.constant 0 : i32
      %dma_wait3A_275 = tpu.memref_slice %arg8[%dma_wait3A_273, %dma_wait3A_274] : memref<160x128xf32, #tpu.memory_space<vmem>> -> memref<80x128xf32, #tpu.memory_space<vmem>>
      %dma_wait3A_276 = arith.constant 0 : i32
      %dma_wait3A_277 = tpu.memref_slice %arg7[%run_scoped3A, %dma_wait3A_276] : memref<2x80xi32, #tpu.memory_space<vmem>> -> memref<1x80xi32, #tpu.memory_space<vmem>>
      %dma_wait3A_278 = tpu.memref_squeeze %dma_wait3A_277 : memref<1x80xi32, #tpu.memory_space<vmem>> -> memref<80xi32, #tpu.memory_space<vmem>>
      %dma_wait3A_279 = arith.constant 0 : i32
      %dma_wait3A_280 = arith.constant 0 : i32
      %dma_wait3A_281 = tpu.memref_slice %arg9[%dma_wait3A_279, %dma_wait3A_280] : memref<10240x128xf32, #tpu.memory_space<vmem_shared>> -> memref<10240x128xf32, #tpu.memory_space<vmem_shared>>
      tpu.wait_indirect_dma semaphore(%run_scoped3A_263 : memref<!tpu.dma_semaphore, #tpu.memory_space<semaphore_mem>>) src(%dma_wait3A_275 : memref<80x128xf32, #tpu.memory_space<vmem>>) dst(%dma_wait3A_281 : memref<10240x128xf32, #tpu.memory_space<vmem_shared>>)
      tpu.yield
    }) : () -> ()
    %barrier3A_258 = arith.constant 0 : index
    tpu.barrier barrier_id(%barrier3A_258)
    %mul3A_259 = arith.constant 640 : i32
    %mul3A_260 = arith.muli %arg1, %mul3A_259 : i32
    %mul3A_261 = arith.constant 640 : i32
    %mul3A_262 = arith.muli %arg1, %mul3A_261 : i32
    "tpu.region"() ({
      %run_scoped3A_263 = tpu.sem_alloc : memref<!tpu.dma_semaphore, #tpu.memory_space<semaphore_mem>>
      %dma_start3A_264 = arith.constant 0 : i32
      %dma_start3A_265 = tpu.memref_slice %arg4[%arg0, %mul3A_262, %dma_start3A_264] : memref<2x10240x128xf32, #tpu.memory_space<hbm>> -> memref<1x640x128xf32, #tpu.memory_space<hbm>>
      %dma_start3A_266 = tpu.memref_squeeze %dma_start3A_265 : memref<1x640x128xf32, #tpu.memory_space<hbm>> -> memref<640x128xf32, #tpu.memory_space<hbm>>
      %dma_start3A_267 = arith.constant 0 : i32
      %dma_start3A_268 = tpu.memref_slice %arg9[%mul3A_260, %dma_start3A_267] : memref<10240x128xf32, #tpu.memory_space<vmem_shared>> -> memref<640x128xf32, #tpu.memory_space<vmem_shared>>
      tpu.enqueue_dma source(%dma_start3A_268 : memref<640x128xf32, #tpu.memory_space<vmem_shared>>) target(%dma_start3A_266 : memref<640x128xf32, #tpu.memory_space<hbm>>) target_semaphore(%run_scoped3A_263 : memref<!tpu.dma_semaphore, #tpu.memory_space<semaphore_mem>>)
      %dma_wait3A_269 = arith.constant 0 : i32
      %dma_wait3A_270 = tpu.memref_slice %arg4[%arg0, %mul3A_262, %dma_wait3A_269] : memref<2x10240x128xf32, #tpu.memory_space<hbm>> -> memref<1x640x128xf32, #tpu.memory_space<hbm>>
      %dma_wait3A_271 = tpu.memref_squeeze %dma_wait3A_270 : memref<1x640x128xf32, #tpu.memory_space<hbm>> -> memref<640x128xf32, #tpu.memory_space<hbm>>
      %dma_wait3A_272 = arith.constant 0 : i32
      %dma_wait3A_273 = tpu.memref_slice %arg9[%mul3A_260, %dma_wait3A_272] : memref<10240x128xf32, #tpu.memory_space<vmem_shared>> -> memref<640x128xf32, #tpu.memory_space<vmem_shared>>
      tpu.wait_dma2 semaphore(%run_scoped3A_263 : memref<!tpu.dma_semaphore, #tpu.memory_space<semaphore_mem>>) src(%dma_wait3A_273 : memref<640x128xf32, #tpu.memory_space<vmem_shared>>) dst(%dma_wait3A_271 : memref<640x128xf32, #tpu.memory_space<hbm>>)
      tpu.yield
    }) : () -> ()
    return
  }
}

#map = affine_map<(d0, d1) -> (0, 0)>
#map1 = affine_map<(d0, d1) -> (0, 0, 0)>
module attributes {stable_mosaic.version = 14 : i64} {
  func.func @_hist_body(%arg0: i32, %arg1: i32, %arg2: memref<2x320000xi32, #tpu.memory_space<hbm>>, %arg3: memref<2x80x128xf32, #tpu.memory_space<hbm>>, %arg4: memref<2x10496xi32, #tpu.memory_space<vmem>>, %arg5: memref<80x128xf32, #tpu.memory_space<vmem>>, %arg6: memref<1x80xi32, #tpu.memory_space<vmem>>, %arg7: memref<80x128xf32, #tpu.memory_space<vmem_shared>>) attributes {dimension_semantics = [#tpu.dimension_semantics<core_parallel>, #tpu.dimension_semantics<subcore_parallel>], iteration_bounds = array<i64: 2, 16>, scalar_prefetch = 0 : i64, scratch_operands = 4 : i64, tpu.core_type = #tpu.core_type<sc_vector_subcore>, window_params = [{transform_indices = #map}, {transform_indices = #map1}]} {
    %mul3A = arith.constant 2 : i32
    %mul3A_0 = arith.muli %arg1, %mul3A : i32
    %add3A = arith.addi %mul3A_0, %arg0 : i32
    %mul3A_1 = arith.constant 10000 : i32
    %mul3A_2 = arith.muli %add3A, %mul3A_1 : i32
    %rem3A = arith.constant 128 : i32
    %rem3A_3 = arith.remsi %mul3A_2, %rem3A : i32
    %sub3A = arith.subi %mul3A_2, %rem3A_3 : i32
    %min3A = arith.constant 309504 : i32
    %min3A_4 = arith.minsi %sub3A, %min3A : i32
    %multiple_of3A = tpu.assume_multiple %min3A_4, 128 : i32
    %sub3A_5 = arith.subi %mul3A_2, %multiple_of3A : i32
    "tpu.region"() ({
      %run_scoped3A_68 = tpu.sem_alloc : memref<!tpu.dma_semaphore, #tpu.memory_space<semaphore_mem>>
      %dma_start3A = arith.constant 0 : i32
      %dma_start3A_69 = tpu.memref_slice %arg2[%dma_start3A, %multiple_of3A] : memref<2x320000xi32, #tpu.memory_space<hbm>> -> memref<2x10496xi32, #tpu.memory_space<hbm>>
      %dma_start3A_70 = arith.constant 0 : i32
      %dma_start3A_71 = tpu.memref_slice %arg2[%dma_start3A_70, %multiple_of3A] : memref<2x320000xi32, #tpu.memory_space<hbm>> -> memref<2x10496xi32, #tpu.memory_space<hbm>>
      tpu.enqueue_dma source(%dma_start3A_71 : memref<2x10496xi32, #tpu.memory_space<hbm>>) target(%arg4 : memref<2x10496xi32, #tpu.memory_space<vmem>>) target_semaphore(%run_scoped3A_68 : memref<!tpu.dma_semaphore, #tpu.memory_space<semaphore_mem>>)
      %dma_wait3A = arith.constant 0 : i32
      %dma_wait3A_72 = tpu.memref_slice %arg2[%dma_wait3A, %multiple_of3A] : memref<2x320000xi32, #tpu.memory_space<hbm>> -> memref<2x10496xi32, #tpu.memory_space<hbm>>
      %dma_wait3A_73 = arith.constant 0 : i32
      %dma_wait3A_74 = tpu.memref_slice %arg2[%dma_wait3A_73, %multiple_of3A] : memref<2x320000xi32, #tpu.memory_space<hbm>> -> memref<2x10496xi32, #tpu.memory_space<hbm>>
      tpu.wait_dma2 semaphore(%run_scoped3A_68 : memref<!tpu.dma_semaphore, #tpu.memory_space<semaphore_mem>>) src(%dma_wait3A_74 : memref<2x10496xi32, #tpu.memory_space<hbm>>) dst(%arg4 : memref<2x10496xi32, #tpu.memory_space<vmem>>)
      tpu.yield
    }) : () -> ()
    %broadcast_in_dim3A = arith.constant 0.000000e+00 : f32
    %broadcast_in_dim3A_6 = vector.broadcast %broadcast_in_dim3A : f32 to vector<16xf32>
    %scan3A = arith.constant 0 : i32
    %scan3A_7 = arith.constant 0 : i32
    %scan3A_8 = arith.constant 80 : i32
    %scan3A_9 = arith.addi %scan3A_7, %scan3A_8 : i32
    %scan3A_10 = arith.constant 1 : i32
    %scan3A_11 = scf.for %scan3A_68 = %scan3A_7 to %scan3A_9 step %scan3A_10 iter_args(%scan3A_69 = %scan3A) -> (i32)  : i32 {
      %swap3A_70 = arith.index_cast %scan3A_68 : i32 to index
      %swap3A_71 = arith.constant 0 : index
      %swap3A_72 = tpu.vector_load %arg5[%swap3A_70, %swap3A_71] {strides = array<i32>} : memref<80x128xf32, #tpu.memory_space<vmem>>, vector<16xf32>,
      tpu.vector_store %arg5[%swap3A_70, %swap3A_71], %broadcast_in_dim3A_6 {strides = array<i32>} : memref<80x128xf32, #tpu.memory_space<vmem>>, vector<16xf32>,
      %swap3A_73 = arith.index_cast %scan3A_68 : i32 to index
      %swap3A_74 = arith.constant 16 : index
      %swap3A_75 = tpu.vector_load %arg5[%swap3A_73, %swap3A_74] {strides = array<i32>} : memref<80x128xf32, #tpu.memory_space<vmem>>, vector<16xf32>,
      tpu.vector_store %arg5[%swap3A_73, %swap3A_74], %broadcast_in_dim3A_6 {strides = array<i32>} : memref<80x128xf32, #tpu.memory_space<vmem>>, vector<16xf32>,
      %swap3A_76 = arith.index_cast %scan3A_68 : i32 to index
      %swap3A_77 = arith.constant 32 : index
      %swap3A_78 = tpu.vector_load %arg5[%swap3A_76, %swap3A_77] {strides = array<i32>} : memref<80x128xf32, #tpu.memory_space<vmem>>, vector<16xf32>,
      tpu.vector_store %arg5[%swap3A_76, %swap3A_77], %broadcast_in_dim3A_6 {strides = array<i32>} : memref<80x128xf32, #tpu.memory_space<vmem>>, vector<16xf32>,
      %swap3A_79 = arith.index_cast %scan3A_68 : i32 to index
      %swap3A_80 = arith.constant 48 : index
      %swap3A_81 = tpu.vector_load %arg5[%swap3A_79, %swap3A_80] {strides = array<i32>} : memref<80x128xf32, #tpu.memory_space<vmem>>, vector<16xf32>,
      tpu.vector_store %arg5[%swap3A_79, %swap3A_80], %broadcast_in_dim3A_6 {strides = array<i32>} : memref<80x128xf32, #tpu.memory_space<vmem>>, vector<16xf32>,
      %swap3A_82 = arith.index_cast %scan3A_68 : i32 to index
      %swap3A_83 = arith.constant 64 : index
      %swap3A_84 = tpu.vector_load %arg5[%swap3A_82, %swap3A_83] {strides = array<i32>} : memref<80x128xf32, #tpu.memory_space<vmem>>, vector<16xf32>,
      tpu.vector_store %arg5[%swap3A_82, %swap3A_83], %broadcast_in_dim3A_6 {strides = array<i32>} : memref<80x128xf32, #tpu.memory_space<vmem>>, vector<16xf32>,
      %swap3A_85 = arith.index_cast %scan3A_68 : i32 to index
      %swap3A_86 = arith.constant 80 : index
      %swap3A_87 = tpu.vector_load %arg5[%swap3A_85, %swap3A_86] {strides = array<i32>} : memref<80x128xf32, #tpu.memory_space<vmem>>, vector<16xf32>,
      tpu.vector_store %arg5[%swap3A_85, %swap3A_86], %broadcast_in_dim3A_6 {strides = array<i32>} : memref<80x128xf32, #tpu.memory_space<vmem>>, vector<16xf32>,
      %swap3A_88 = arith.index_cast %scan3A_68 : i32 to index
      %swap3A_89 = arith.constant 96 : index
      %swap3A_90 = tpu.vector_load %arg5[%swap3A_88, %swap3A_89] {strides = array<i32>} : memref<80x128xf32, #tpu.memory_space<vmem>>, vector<16xf32>,
      tpu.vector_store %arg5[%swap3A_88, %swap3A_89], %broadcast_in_dim3A_6 {strides = array<i32>} : memref<80x128xf32, #tpu.memory_space<vmem>>, vector<16xf32>,
      %swap3A_91 = arith.index_cast %scan3A_68 : i32 to index
      %swap3A_92 = arith.constant 112 : index
      %swap3A_93 = tpu.vector_load %arg5[%swap3A_91, %swap3A_92] {strides = array<i32>} : memref<80x128xf32, #tpu.memory_space<vmem>>, vector<16xf32>,
      tpu.vector_store %arg5[%swap3A_91, %swap3A_92], %broadcast_in_dim3A_6 {strides = array<i32>} : memref<80x128xf32, #tpu.memory_space<vmem>>, vector<16xf32>,
      %scan3A_94 = arith.constant 0 : i32
      scf.yield %scan3A_94 : i32
    }
    %scan3A_12 = arith.constant 80 : i32
    %iota3A = tpu.iota {dimensions = array<i32: 0>} : vector<16xi32>
    %add3A_13 = arith.constant 0 : i32
    %add3A_14 = vector.broadcast %add3A_13 : i32 to vector<16xi32>
    %add3A_15 = arith.addi %iota3A, %add3A_14 : vector<16xi32>
    %swap3A = arith.constant 0 : i32
    %swap3A_16 = arith.index_cast %swap3A : i32 to index
    %swap3A_17 = arith.constant 0 : index
    %swap3A_18 = tpu.vector_load %arg6[%swap3A_16, %swap3A_17] {strides = array<i32>} : memref<1x80xi32, #tpu.memory_space<vmem>>, vector<16xi32>,
    tpu.vector_store %arg6[%swap3A_16, %swap3A_17], %add3A_15 {strides = array<i32>} : memref<1x80xi32, #tpu.memory_space<vmem>>, vector<16xi32>,
    %iota3A_19 = tpu.iota {dimensions = array<i32: 0>} : vector<16xi32>
    %add3A_20 = arith.constant 16 : i32
    %add3A_21 = vector.broadcast %add3A_20 : i32 to vector<16xi32>
    %add3A_22 = arith.addi %iota3A_19, %add3A_21 : vector<16xi32>
    %swap3A_23 = arith.constant 0 : i32
    %swap3A_24 = arith.index_cast %swap3A_23 : i32 to index
    %swap3A_25 = arith.constant 16 : index
    %swap3A_26 = tpu.vector_load %arg6[%swap3A_24, %swap3A_25] {strides = array<i32>} : memref<1x80xi32, #tpu.memory_space<vmem>>, vector<16xi32>,
    tpu.vector_store %arg6[%swap3A_24, %swap3A_25], %add3A_22 {strides = array<i32>} : memref<1x80xi32, #tpu.memory_space<vmem>>, vector<16xi32>,
    %iota3A_27 = tpu.iota {dimensions = array<i32: 0>} : vector<16xi32>
    %add3A_28 = arith.constant 32 : i32
    %add3A_29 = vector.broadcast %add3A_28 : i32 to vector<16xi32>
    %add3A_30 = arith.addi %iota3A_27, %add3A_29 : vector<16xi32>
    %swap3A_31 = arith.constant 0 : i32
    %swap3A_32 = arith.index_cast %swap3A_31 : i32 to index
    %swap3A_33 = arith.constant 32 : index
    %swap3A_34 = tpu.vector_load %arg6[%swap3A_32, %swap3A_33] {strides = array<i32>} : memref<1x80xi32, #tpu.memory_space<vmem>>, vector<16xi32>,
    tpu.vector_store %arg6[%swap3A_32, %swap3A_33], %add3A_30 {strides = array<i32>} : memref<1x80xi32, #tpu.memory_space<vmem>>, vector<16xi32>,
    %iota3A_35 = tpu.iota {dimensions = array<i32: 0>} : vector<16xi32>
    %add3A_36 = arith.constant 48 : i32
    %add3A_37 = vector.broadcast %add3A_36 : i32 to vector<16xi32>
    %add3A_38 = arith.addi %iota3A_35, %add3A_37 : vector<16xi32>
    %swap3A_39 = arith.constant 0 : i32
    %swap3A_40 = arith.index_cast %swap3A_39 : i32 to index
    %swap3A_41 = arith.constant 48 : index
    %swap3A_42 = tpu.vector_load %arg6[%swap3A_40, %swap3A_41] {strides = array<i32>} : memref<1x80xi32, #tpu.memory_space<vmem>>, vector<16xi32>,
    tpu.vector_store %arg6[%swap3A_40, %swap3A_41], %add3A_38 {strides = array<i32>} : memref<1x80xi32, #tpu.memory_space<vmem>>, vector<16xi32>,
    %iota3A_43 = tpu.iota {dimensions = array<i32: 0>} : vector<16xi32>
    %add3A_44 = arith.constant 64 : i32
    %add3A_45 = vector.broadcast %add3A_44 : i32 to vector<16xi32>
    %add3A_46 = arith.addi %iota3A_43, %add3A_45 : vector<16xi32>
    %swap3A_47 = arith.constant 0 : i32
    %swap3A_48 = arith.index_cast %swap3A_47 : i32 to index
    %swap3A_49 = arith.constant 64 : index
    %swap3A_50 = tpu.vector_load %arg6[%swap3A_48, %swap3A_49] {strides = array<i32>} : memref<1x80xi32, #tpu.memory_space<vmem>>, vector<16xi32>,
    tpu.vector_store %arg6[%swap3A_48, %swap3A_49], %add3A_46 {strides = array<i32>} : memref<1x80xi32, #tpu.memory_space<vmem>>, vector<16xi32>,
    %lt3A = arith.constant 10 : i32
    %lt3A_51 = arith.cmpi slt, %arg1, %lt3A : i32
    %convert_element_type3A = arith.extui %lt3A_51 : i1 to i32
    %cond3A = arith.constant 0 : i32
    %cond3A_52 = arith.cmpi ne, %convert_element_type3A, %cond3A : i32
    scf.if %cond3A_52 {
      %mul3A_68 = arith.constant 8 : i32
      %mul3A_69 = arith.muli %arg1, %mul3A_68 : i32
      %mul3A_70 = arith.constant 8 : i32
      %mul3A_71 = arith.muli %arg1, %mul3A_70 : i32
      "tpu.region"() ({
        %run_scoped3A_72 = tpu.sem_alloc : memref<!tpu.dma_semaphore, #tpu.memory_space<semaphore_mem>>
        %dma_start3A = arith.constant 0 : i32
        %dma_start3A_73 = tpu.memref_slice %arg5[%mul3A_69, %dma_start3A] : memref<80x128xf32, #tpu.memory_space<vmem>> -> memref<8x128xf32, #tpu.memory_space<vmem>>
        %dma_start3A_74 = arith.constant 0 : i32
        %dma_start3A_75 = tpu.memref_slice %arg7[%mul3A_71, %dma_start3A_74] : memref<80x128xf32, #tpu.memory_space<vmem_shared>> -> memref<8x128xf32, #tpu.memory_space<vmem_shared>>
        %dma_start3A_76 = arith.constant 0 : i32
        %dma_start3A_77 = tpu.memref_slice %arg7[%mul3A_71, %dma_start3A_76] : memref<80x128xf32, #tpu.memory_space<vmem_shared>> -> memref<8x128xf32, #tpu.memory_space<vmem_shared>>
        %dma_start3A_78 = arith.constant 0 : i32
        %dma_start3A_79 = tpu.memref_slice %arg5[%mul3A_69, %dma_start3A_78] : memref<80x128xf32, #tpu.memory_space<vmem>> -> memref<8x128xf32, #tpu.memory_space<vmem>>
        tpu.enqueue_dma source(%dma_start3A_79 : memref<8x128xf32, #tpu.memory_space<vmem>>) target(%dma_start3A_77 : memref<8x128xf32, #tpu.memory_space<vmem_shared>>) target_semaphore(%run_scoped3A_72 : memref<!tpu.dma_semaphore, #tpu.memory_space<semaphore_mem>>)
        %dma_wait3A = arith.constant 0 : i32
        %dma_wait3A_80 = tpu.memref_slice %arg5[%mul3A_69, %dma_wait3A] : memref<80x128xf32, #tpu.memory_space<vmem>> -> memref<8x128xf32, #tpu.memory_space<vmem>>
        %dma_wait3A_81 = arith.constant 0 : i32
        %dma_wait3A_82 = tpu.memref_slice %arg7[%mul3A_71, %dma_wait3A_81] : memref<80x128xf32, #tpu.memory_space<vmem_shared>> -> memref<8x128xf32, #tpu.memory_space<vmem_shared>>
        %dma_wait3A_83 = arith.constant 0 : i32
        %dma_wait3A_84 = tpu.memref_slice %arg7[%mul3A_71, %dma_wait3A_83] : memref<80x128xf32, #tpu.memory_space<vmem_shared>> -> memref<8x128xf32, #tpu.memory_space<vmem_shared>>
        %dma_wait3A_85 = arith.constant 0 : i32
        %dma_wait3A_86 = tpu.memref_slice %arg5[%mul3A_69, %dma_wait3A_85] : memref<80x128xf32, #tpu.memory_space<vmem>> -> memref<8x128xf32, #tpu.memory_space<vmem>>
        tpu.wait_dma2 semaphore(%run_scoped3A_72 : memref<!tpu.dma_semaphore, #tpu.memory_space<semaphore_mem>>) src(%dma_wait3A_86 : memref<8x128xf32, #tpu.memory_space<vmem>>) dst(%dma_wait3A_84 : memref<8x128xf32, #tpu.memory_space<vmem_shared>>)
        tpu.yield
      }) : () -> ()
    } else {
    }
    %barrier3A = arith.constant 0 : index
    tpu.barrier barrier_id(%barrier3A)
    %broadcast_in_dim3A_53 = arith.constant 1.000000e+00 : f32
    %broadcast_in_dim3A_54 = vector.broadcast %broadcast_in_dim3A_53 : f32 to vector<16xf32>
    %scan3A_55 = arith.constant 0 : i32
    %scan3A_56 = arith.constant 0 : i32
    %scan3A_57 = arith.constant 625 : i32
    %scan3A_58 = arith.addi %scan3A_56, %scan3A_57 : i32
    %scan3A_59 = arith.constant 1 : i32
    %scan3A_60 = scf.for %scan3A_68 = %scan3A_56 to %scan3A_58 step %scan3A_59 iter_args(%scan3A_69 = %scan3A_55) -> (i32)  : i32 {
      %mul3A_70 = arith.constant 16 : i32
      %mul3A_71 = arith.muli %scan3A_68, %mul3A_70 : i32
      %add3A_72 = arith.addi %sub3A_5, %mul3A_71 : i32
      %get3A = arith.constant 1 : i32
      %get3A_73 = arith.index_cast %get3A : i32 to index
      %get3A_74 = arith.index_cast %add3A_72 : i32 to index
      %get3A_75 = tpu.vector_load %arg4[%get3A_73, %get3A_74] {strides = array<i32>} : memref<2x10496xi32, #tpu.memory_space<vmem>>, vector<16xi32>,
      %shift_right_logical3A = arith.constant 7 : i32
      %shift_right_logical3A_76 = vector.broadcast %shift_right_logical3A : i32 to vector<16xi32>
      %shift_right_logical3A_77 = arith.shrui %get3A_75, %shift_right_logical3A_76 : vector<16xi32>
      %and3A = arith.constant 127 : i32
      %and3A_78 = vector.broadcast %and3A : i32 to vector<16xi32>
      %and3A_79 = arith.andi %get3A_75, %and3A_78 : vector<16xi32>
      tpu.vector_store_idx %arg5[%shift_right_logical3A_77, %and3A_79], %broadcast_in_dim3A_54 {add = true} : memref<80x128xf32, #tpu.memory_space<vmem>>[vector<16xi32>, vector<16xi32>], vector<16xf32>,
      %scan3A_80 = arith.constant 0 : i32
      scf.yield %scan3A_80 : i32
    }
    %scan3A_61 = arith.constant 625 : i32
    %run_scoped3A = arith.constant 0 : i32
    "tpu.region"() ({
      %run_scoped3A_68 = tpu.sem_alloc : memref<!tpu.dma_semaphore, #tpu.memory_space<semaphore_mem>>
      %dma_start3A = arith.constant 0 : i32
      %dma_start3A_69 = tpu.memref_slice %arg6[%run_scoped3A, %dma_start3A] : memref<1x80xi32, #tpu.memory_space<vmem>> -> memref<1x80xi32, #tpu.memory_space<vmem>>
      %dma_start3A_70 = tpu.memref_squeeze %dma_start3A_69 : memref<1x80xi32, #tpu.memory_space<vmem>> -> memref<80xi32, #tpu.memory_space<vmem>>
      %dma_start3A_71 = arith.constant 0 : i32
      %dma_start3A_72 = arith.constant 0 : i32
      %dma_start3A_73 = tpu.memref_slice %arg7[%dma_start3A_71, %dma_start3A_72] : memref<80x128xf32, #tpu.memory_space<vmem_shared>> -> memref<80x128xf32, #tpu.memory_space<vmem_shared>>
      tpu.enqueue_indirect_dma source(%arg5 : memref<80x128xf32, #tpu.memory_space<vmem>>) target(%dma_start3A_73 : memref<80x128xf32, #tpu.memory_space<vmem_shared>>) offsets(%dma_start3A_70 : memref<80xi32, #tpu.memory_space<vmem>>) semaphore(%run_scoped3A_68 : memref<!tpu.dma_semaphore, #tpu.memory_space<semaphore_mem>>) {add = true}
      %dma_wait3A = arith.constant 0 : i32
      %dma_wait3A_74 = tpu.memref_slice %arg6[%run_scoped3A, %dma_wait3A] : memref<1x80xi32, #tpu.memory_space<vmem>> -> memref<1x80xi32, #tpu.memory_space<vmem>>
      %dma_wait3A_75 = tpu.memref_squeeze %dma_wait3A_74 : memref<1x80xi32, #tpu.memory_space<vmem>> -> memref<80xi32, #tpu.memory_space<vmem>>
      %dma_wait3A_76 = arith.constant 0 : i32
      %dma_wait3A_77 = arith.constant 0 : i32
      %dma_wait3A_78 = tpu.memref_slice %arg7[%dma_wait3A_76, %dma_wait3A_77] : memref<80x128xf32, #tpu.memory_space<vmem_shared>> -> memref<80x128xf32, #tpu.memory_space<vmem_shared>>
      tpu.wait_indirect_dma semaphore(%run_scoped3A_68 : memref<!tpu.dma_semaphore, #tpu.memory_space<semaphore_mem>>) src(%arg5 : memref<80x128xf32, #tpu.memory_space<vmem>>) dst(%dma_wait3A_78 : memref<80x128xf32, #tpu.memory_space<vmem_shared>>)
      tpu.yield
    }) : () -> ()
    %barrier3A_62 = arith.constant 0 : index
    tpu.barrier barrier_id(%barrier3A_62)
    %lt3A_63 = arith.constant 10 : i32
    %lt3A_64 = arith.cmpi slt, %arg1, %lt3A_63 : i32
    %convert_element_type3A_65 = arith.extui %lt3A_64 : i1 to i32
    %cond3A_66 = arith.constant 0 : i32
    %cond3A_67 = arith.cmpi ne, %convert_element_type3A_65, %cond3A_66 : i32
    scf.if %cond3A_67 {
      %mul3A_68 = arith.constant 8 : i32
      %mul3A_69 = arith.muli %arg1, %mul3A_68 : i32
      %mul3A_70 = arith.constant 8 : i32
      %mul3A_71 = arith.muli %arg1, %mul3A_70 : i32
      "tpu.region"() ({
        %run_scoped3A_72 = tpu.sem_alloc : memref<!tpu.dma_semaphore, #tpu.memory_space<semaphore_mem>>
        %dma_start3A = arith.constant 0 : i32
        %dma_start3A_73 = tpu.memref_slice %arg3[%arg0, %mul3A_71, %dma_start3A] : memref<2x80x128xf32, #tpu.memory_space<hbm>> -> memref<1x8x128xf32, #tpu.memory_space<hbm>>
        %dma_start3A_74 = tpu.memref_squeeze %dma_start3A_73 : memref<1x8x128xf32, #tpu.memory_space<hbm>> -> memref<8x128xf32, #tpu.memory_space<hbm>>
        %dma_start3A_75 = arith.constant 0 : i32
        %dma_start3A_76 = tpu.memref_slice %arg7[%mul3A_69, %dma_start3A_75] : memref<80x128xf32, #tpu.memory_space<vmem_shared>> -> memref<8x128xf32, #tpu.memory_space<vmem_shared>>
        tpu.enqueue_dma source(%dma_start3A_76 : memref<8x128xf32, #tpu.memory_space<vmem_shared>>) target(%dma_start3A_74 : memref<8x128xf32, #tpu.memory_space<hbm>>) target_semaphore(%run_scoped3A_72 : memref<!tpu.dma_semaphore, #tpu.memory_space<semaphore_mem>>)
        %dma_wait3A = arith.constant 0 : i32
        %dma_wait3A_77 = tpu.memref_slice %arg3[%arg0, %mul3A_71, %dma_wait3A] : memref<2x80x128xf32, #tpu.memory_space<hbm>> -> memref<1x8x128xf32, #tpu.memory_space<hbm>>
        %dma_wait3A_78 = tpu.memref_squeeze %dma_wait3A_77 : memref<1x8x128xf32, #tpu.memory_space<hbm>> -> memref<8x128xf32, #tpu.memory_space<hbm>>
        %dma_wait3A_79 = arith.constant 0 : i32
        %dma_wait3A_80 = tpu.memref_slice %arg7[%mul3A_69, %dma_wait3A_79] : memref<80x128xf32, #tpu.memory_space<vmem_shared>> -> memref<8x128xf32, #tpu.memory_space<vmem_shared>>
        tpu.wait_dma2 semaphore(%run_scoped3A_72 : memref<!tpu.dma_semaphore, #tpu.memory_space<semaphore_mem>>) src(%dma_wait3A_80 : memref<8x128xf32, #tpu.memory_space<vmem_shared>>) dst(%dma_wait3A_78 : memref<8x128xf32, #tpu.memory_space<hbm>>)
        tpu.yield
      }) : () -> ()
    } else {
    }
    return
  }
}

module attributes {stable_mosaic.version = 14 : i64} {
  func.func @_deg_body(%arg0: memref<2x80x128xf32, #tpu.memory_space<vmem>>, %arg1: memref<80x128xf32, #tpu.memory_space<vmem>>) attributes {dimension_semantics = [], scalar_prefetch = 0 : i64, scratch_operands = 0 : i64, tpu.core_type = #tpu.core_type<tc>} {
    %get3A = arith.constant 0 : index
    %get3A_0 = arith.constant 0 : index
    %get3A_1 = arith.constant 0 : index
    %get3A_2 = vector.load %arg0[%get3A, %get3A_0, %get3A_1] : memref<2x80x128xf32, #tpu.memory_space<vmem>>, vector<2x80x128xf32>
    %slice3A = vector.extract_strided_slice %get3A_2 {offsets = [0, 0, 0], sizes = [1, 80, 128], strides = [1, 1, 1]} : vector<2x80x128xf32> to vector<1x80x128xf32>
    %squeeze3A = vector.shape_cast %slice3A : vector<1x80x128xf32> to vector<80x128xf32>
    %slice3A_3 = vector.extract_strided_slice %get3A_2 {offsets = [1, 0, 0], sizes = [1, 80, 128], strides = [1, 1, 1]} : vector<2x80x128xf32> to vector<1x80x128xf32>
    %squeeze3A_4 = vector.shape_cast %slice3A_3 : vector<1x80x128xf32> to vector<80x128xf32>
    %add3A = arith.addf %squeeze3A, %squeeze3A_4 : vector<80x128xf32>
    %add3A_5 = arith.constant 1.000000e+00 : f32
    %add3A_6 = vector.broadcast %add3A_5 : f32 to vector<80x128xf32>
    %add3A_7 = arith.addf %add3A, %add3A_6 : vector<80x128xf32>
    %rsqrt3A = math.rsqrt %add3A_7 : vector<80x128xf32>
    %swap3A = arith.constant 0 : index
    %swap3A_8 = arith.constant 0 : index
    %swap3A_9 = vector.load %arg1[%swap3A, %swap3A_8] : memref<80x128xf32, #tpu.memory_space<vmem>>, vector<80x128xf32>
    tpu.vector_store %arg1[%swap3A, %swap3A_8], %rsqrt3A {strides = array<i32>} : memref<80x128xf32, #tpu.memory_space<vmem>>, vector<80x128xf32>,
    return
  }
}

module attributes {stable_mosaic.version = 14 : i64} {
  func.func @_prep_body(%arg0: i32, %arg1: memref<2000x128xf32, #tpu.memory_space<vmem>>, %arg2: memref<128x128xf32, #tpu.memory_space<vmem>>, %arg3: memref<128x128xf32, #tpu.memory_space<vmem>>, %arg4: memref<1x128xf32, #tpu.memory_space<vmem>>, %arg5: memref<2000x1xf32, #tpu.memory_space<vmem>>, %arg6: memref<2000x128xf32, #tpu.memory_space<vmem>>, %arg7: memref<2000x128xf32, #tpu.memory_space<vmem>>) attributes {dimension_semantics = [#tpu.dimension_semantics<arbitrary>], iteration_bounds = array<i64: 5>, scalar_prefetch = 0 : i64, scratch_operands = 0 : i64, tpu.core_type = #tpu.core_type<tc>, window_params = [{transform_indices = @transform_0, window_bounds = array<i64: 2000, 128>}, {pipeline_mode = #tpu.pipeline_mode<synchronous>, transform_indices = @transform_1, window_bounds = array<i64: 128, 128>}, {pipeline_mode = #tpu.pipeline_mode<synchronous>, transform_indices = @transform_2, window_bounds = array<i64: 128, 128>}, {pipeline_mode = #tpu.pipeline_mode<synchronous>, transform_indices = @transform_3, window_bounds = array<i64: 1, 128>}, {transform_indices = @transform_4, window_bounds = array<i64: 2000, 1>}, {transform_indices = @transform_5, window_bounds = array<i64: 2000, 128>}, {transform_indices = @transform_6, window_bounds = array<i64: 2000, 128>}]} {
    %get3A = arith.constant 0 : index
    %get3A_0 = arith.constant 0 : index
    %get3A_1 = vector.load %arg1[%get3A, %get3A_0] : memref<2000x128xf32, #tpu.memory_space<vmem>>, vector<2000x128xf32>
    %get3A_2 = arith.constant 0 : index
    %get3A_3 = arith.constant 0 : index
    %get3A_4 = vector.load %arg5[%get3A_2, %get3A_3] : memref<2000x1xf32, #tpu.memory_space<vmem>>, vector<2000x1xf32>
    %get3A_5 = arith.constant 0 : index
    %get3A_6 = arith.constant 0 : index
    %get3A_7 = vector.load %arg2[%get3A_5, %get3A_6] : memref<128x128xf32, #tpu.memory_space<vmem>>, vector<128x128xf32>
    %dot_general3A = arith.constant dense<0.000000e+00> : vector<2000x128xf32>
    %dot_general3A_8 = tpu.matmul %get3A_1, %get3A_7, %dot_general3A {dimension_numbers = #tpu.dot_dimension_numbers<[1], [0], [0], [1], [0, 0, 1, 1], [], []>, transpose_lhs_hint = false} : vector<2000x128xf32>, vector<128x128xf32>, vector<2000x128xf32> -> vector<2000x128xf32>
    %mul3A = vector.broadcast %get3A_4 : vector<2000x1xf32> to vector<2000x128xf32>
    %mul3A_9 = arith.mulf %dot_general3A_8, %mul3A : vector<2000x128xf32>
    %swap3A = arith.constant 0 : index
    %swap3A_10 = arith.constant 0 : index
    %swap3A_11 = vector.load %arg6[%swap3A, %swap3A_10] : memref<2000x128xf32, #tpu.memory_space<vmem>>, vector<2000x128xf32>
    tpu.vector_store %arg6[%swap3A, %swap3A_10], %mul3A_9 {strides = array<i32>} : memref<2000x128xf32, #tpu.memory_space<vmem>>, vector<2000x128xf32>,
    %mul3A_12 = arith.mulf %get3A_4, %get3A_4 : vector<2000x1xf32>
    %mul3A_13 = vector.broadcast %mul3A_12 : vector<2000x1xf32> to vector<2000x128xf32>
    %mul3A_14 = arith.mulf %dot_general3A_8, %mul3A_13 : vector<2000x128xf32>
    %get3A_15 = arith.constant 0 : index
    %get3A_16 = arith.constant 0 : index
    %get3A_17 = vector.load %arg3[%get3A_15, %get3A_16] : memref<128x128xf32, #tpu.memory_space<vmem>>, vector<128x128xf32>
    %dot_general3A_18 = arith.constant dense<0.000000e+00> : vector<2000x128xf32>
    %dot_general3A_19 = tpu.matmul %get3A_1, %get3A_17, %dot_general3A_18 {dimension_numbers = #tpu.dot_dimension_numbers<[1], [0], [0], [1], [0, 0, 1, 1], [], []>, transpose_lhs_hint = false} : vector<2000x128xf32>, vector<128x128xf32>, vector<2000x128xf32> -> vector<2000x128xf32>
    %add3A = arith.addf %mul3A_14, %dot_general3A_19 : vector<2000x128xf32>
    %get3A_20 = arith.constant 0 : index
    %get3A_21 = arith.constant 0 : index
    %get3A_22 = vector.load %arg4[%get3A_20, %get3A_21] : memref<1x128xf32, #tpu.memory_space<vmem>>, vector<1x128xf32>
    %add3A_23 = vector.broadcast %get3A_22 : vector<1x128xf32> to vector<2000x128xf32>
    %add3A_24 = arith.addf %add3A, %add3A_23 : vector<2000x128xf32>
    %swap3A_25 = arith.constant 0 : index
    %swap3A_26 = arith.constant 0 : index
    %swap3A_27 = vector.load %arg7[%swap3A_25, %swap3A_26] : memref<2000x128xf32, #tpu.memory_space<vmem>>, vector<2000x128xf32>
    tpu.vector_store %arg7[%swap3A_25, %swap3A_26], %add3A_24 {strides = array<i32>} : memref<2000x128xf32, #tpu.memory_space<vmem>>, vector<2000x128xf32>,
    return
  }
  func.func @transform_0(%arg0: i32) -> (i32, i32) {
    %c0_i32 = arith.constant 0 : i32
    %c0_i32_0 = arith.constant 0 : i32
    return %arg0, %c0_i32 : i32, i32
  }
  func.func @transform_1(%arg0: i32) -> (i32, i32) {
    %c0_i32 = arith.constant 0 : i32
    %c0_i32_0 = arith.constant 0 : i32
    %c0_i32_1 = arith.constant 0 : i32
    return %c0_i32, %c0_i32_0 : i32, i32
  }
  func.func @transform_2(%arg0: i32) -> (i32, i32) {
    %c0_i32 = arith.constant 0 : i32
    %c0_i32_0 = arith.constant 0 : i32
    %c0_i32_1 = arith.constant 0 : i32
    return %c0_i32, %c0_i32_0 : i32, i32
  }
  func.func @transform_3(%arg0: i32) -> (i32, i32) {
    %c0_i32 = arith.constant 0 : i32
    %c0_i32_0 = arith.constant 0 : i32
    %c0_i32_1 = arith.constant 0 : i32
    return %c0_i32, %c0_i32_0 : i32, i32
  }
  func.func @transform_4(%arg0: i32) -> (i32, i32) {
    %c0_i32 = arith.constant 0 : i32
    %c0_i32_0 = arith.constant 0 : i32
    return %arg0, %c0_i32 : i32, i32
  }
  func.func @transform_5(%arg0: i32) -> (i32, i32) {
    %c0_i32 = arith.constant 0 : i32
    %c0_i32_0 = arith.constant 0 : i32
    return %arg0, %c0_i32 : i32, i32
  }
  func.func @transform_6(%arg0: i32) -> (i32, i32) {
    %c0_i32 = arith.constant 0 : i32
    %c0_i32_0 = arith.constant 0 : i32
    return %arg0, %c0_i32 : i32, i32
  }
}

module attributes {stable_mosaic.version = 14 : i64} {
  func.func @_final_body(%arg0: i32, %arg1: memref<2x2000x128xf32, #tpu.memory_space<vmem>>, %arg2: memref<2000x1xf32, #tpu.memory_space<vmem>>, %arg3: memref<2000x128xf32, #tpu.memory_space<vmem>>, %arg4: memref<2000x128xf32, #tpu.memory_space<vmem>>) attributes {dimension_semantics = [#tpu.dimension_semantics<arbitrary>], iteration_bounds = array<i64: 5>, scalar_prefetch = 0 : i64, scratch_operands = 0 : i64, tpu.core_type = #tpu.core_type<tc>, window_params = [{transform_indices = @transform_0, window_bounds = array<i64: 2, 2000, 128>}, {transform_indices = @transform_1, window_bounds = array<i64: 2000, 1>}, {transform_indices = @transform_2, window_bounds = array<i64: 2000, 128>}, {transform_indices = @transform_3, window_bounds = array<i64: 2000, 128>}]} {
    %get3A = arith.constant 0 : index
    %get3A_0 = arith.constant 0 : index
    %get3A_1 = arith.constant 0 : index
    %get3A_2 = vector.load %arg1[%get3A, %get3A_0, %get3A_1] : memref<2x2000x128xf32, #tpu.memory_space<vmem>>, vector<2x2000x128xf32>
    %slice3A = vector.extract_strided_slice %get3A_2 {offsets = [0, 0, 0], sizes = [1, 2000, 128], strides = [1, 1, 1]} : vector<2x2000x128xf32> to vector<1x2000x128xf32>
    %squeeze3A = vector.shape_cast %slice3A : vector<1x2000x128xf32> to vector<2000x128xf32>
    %slice3A_3 = vector.extract_strided_slice %get3A_2 {offsets = [1, 0, 0], sizes = [1, 2000, 128], strides = [1, 1, 1]} : vector<2x2000x128xf32> to vector<1x2000x128xf32>
    %squeeze3A_4 = vector.shape_cast %slice3A_3 : vector<1x2000x128xf32> to vector<2000x128xf32>
    %add3A = arith.addf %squeeze3A, %squeeze3A_4 : vector<2000x128xf32>
    %get3A_5 = arith.constant 0 : index
    %get3A_6 = arith.constant 0 : index
    %get3A_7 = vector.load %arg2[%get3A_5, %get3A_6] : memref<2000x1xf32, #tpu.memory_space<vmem>>, vector<2000x1xf32>
    %mul3A = vector.broadcast %get3A_7 : vector<2000x1xf32> to vector<2000x128xf32>
    %mul3A_8 = arith.mulf %add3A, %mul3A : vector<2000x128xf32>
    %get3A_9 = arith.constant 0 : index
    %get3A_10 = arith.constant 0 : index
    %get3A_11 = vector.load %arg3[%get3A_9, %get3A_10] : memref<2000x128xf32, #tpu.memory_space<vmem>>, vector<2000x128xf32>
    %add3A_12 = arith.addf %mul3A_8, %get3A_11 : vector<2000x128xf32>
    %swap3A = arith.constant 0 : index
    %swap3A_13 = arith.constant 0 : index
    %swap3A_14 = vector.load %arg4[%swap3A, %swap3A_13] : memref<2000x128xf32, #tpu.memory_space<vmem>>, vector<2000x128xf32>
    tpu.vector_store %arg4[%swap3A, %swap3A_13], %add3A_12 {strides = array<i32>} : memref<2000x128xf32, #tpu.memory_space<vmem>>, vector<2000x128xf32>,
    return
  }
  func.func @transform_0(%arg0: i32) -> (i32, i32, i32) {
    %c0_i32 = arith.constant 0 : i32
    %c0_i32_0 = arith.constant 0 : i32
    %c0_i32_1 = arith.constant 0 : i32
    return %c0_i32, %arg0, %c0_i32_0 : i32, i32, i32
  }
  func.func @transform_1(%arg0: i32) -> (i32, i32) {
    %c0_i32 = arith.constant 0 : i32
    %c0_i32_0 = arith.constant 0 : i32
    return %arg0, %c0_i32 : i32, i32
  }
  func.func @transform_2(%arg0: i32) -> (i32, i32) {
    %c0_i32 = arith.constant 0 : i32
    %c0_i32_0 = arith.constant 0 : i32
    return %arg0, %c0_i32 : i32, i32
  }
  func.func @transform_3(%arg0: i32) -> (i32, i32) {
    %c0_i32 = arith.constant 0 : i32
    %c0_i32_0 = arith.constant 0 : i32
    return %arg0, %c0_i32 : i32, i32
  }
}

</mosaic_0001>

<sc_bundles>
// kernel: kernel.10.cloned.1.call-start
scs
__scs_entry_jumppad:
0x0: {  	(pc) =	sbr.rel $0x88, $3  }
0x1: {  	(tag) =	ssettag $0x0;
	lr =	simm.s32 $0x1  }
0x2: {  	[smem:$0x3F9B] =	sst lr;
	_ =	strace $0xD0000000  }
0x3: {  	_ = 	snop  }
0x4: {  	_ = 	snop  }
0x5: {  	_ = 	snop  }
0x6: {  	_ = 	snop  }
0x7: {  	_ = 	snop  }
__scs_overlays_trampoline_lowered:
0x8: {  	[smem:$0x3FAA] =	sst s0  }
0x9: {  	[smem:$0x3FAB] =	sst s1  }
0xa: {  	[smem:$0x3FAC] =	sst s2  }
0xb: {  	[smem:$0x3FAD] =	sst s3  }
0xc: {  	[smem:$0x3FAE] =	sst s4  }
0xd: {  	[smem:$0x3FAF] =	sst s5  }
0xe: {  	[smem:$0x3FB0] =	sst s6  }
0xf: {  	[smem:$0x3FB1] =	sst s7  }
0x10: {  	[smem:$0x3FB2] =	sst s8  }
0x11: {  	[smem:$0x3FB3] =	sst s9;
	s0 =	simm.s32 @!p0 $0x0  }
0x12: {  	s1 =	sld [smem:$0x3F99];
	s0 =	simm.s32 @p0 $0x1  }
0x13: {  	[smem:$0x3FB4] =	sst s0;
	s0 =	simm.s32 @!p1 $0x0  }
0x14: {  	s2 =	sld [smem:$0x3F98];
	s0 =	simm.s32 @p1 $0x1  }
0x15: {  	[smem:$0x3FB5] =	sst s0;
	s0 =	simm.s32 @!p2 $0x0  }
0x16: {  	s3 =	sld [smem:$0x3FDB];
	s0 =	simm.s32 @p2 $0x1  }
0x17: {  	s4 =	simm.s32 $0x1BF5;
	[smem:$0x3FB7] =	sst s0  }
0x18: {  	s0 =	sld [smem:$0x3F9A];
	_ =	swait.ge [sflag:s4], $0x0  }
0x19: {  	s7 =	sld [smem:$0x3F9B]  }
0x1a: {  	s8 =	sadd.s32 $0xFFFFE003, lr  }
0x1b: {  	s9 =	sadd.s32 $0xFFFFFEF7, lr;
	s5 =	simm.s32 $0xFFFFFFFF;
	p2 =	slt.u32 s8, $0xFFFFF086  }
0x1c: {  	p1 =	slt.u32 s9, $0xF7A;
	s5 =	simm.s32 @!p2 $0x0  }
0x1d: {  	s5 =	simm.s32 @p1 $0x1;
	p0 =	seq.s32 s7, s2  }
0x1e: {  	s7 =	smul.u32 @!p0 $0xF7A, s2;
	p2 =	seq.s32 @!p0 s5, $0x0  }
0x1f: {  	s9 =	smul.u32 $0xF7A, s1;
	s8 =	simm.s32 @!p0 $0x1BF5;
	p2 =	por !p2, p0  }
0x20: {  	[sflag:s8] =	ssyncset.s32 @!p0 $0xFFFFF086;
	s6 =	sadd.s32 @!p0 s3, s7;
	s7 =	simm.s32 @!p0 $0x108  }
0x21: {  	s3 =	sadd.s32 s3, s9;
	s6 =	sadd.s32 @!p0 $0x88, s6;
	s7 =	simm.s32 @p2 $0x1082  }
0x22: {  	[simem:s7], [sflag:s8] =	dma.local @!p0 [hbm:s6], $0xF7A  }
0x23: {  	s9 =	sor.u32 $0xD0000000, s2;
	s6 =	simm.s32 $0x108;
	_ =	swait.ge @!p0 [sflag:s8], $0x0  }
0x24: {  	s3 =	sadd.s32 $0x88, s3;
	s6 =	simm.s32 @!p1 $0x1082;
	[sflag:s4] =	ssyncset.s32 $0xFFFFF086  }
0x25: {  	[simem:s6], [sflag:s4] =	dma.local [hbm:s3], $0xF7A  }
0x26: {  	[smem:$0x3F9B] =	sst s1;
	(tag) =	ssettag s2;
	_ =	strace s9  }
0x27: {  	s1 =	sld [smem:$0x3FAB]  }
0x28: {  	s2 =	sld [smem:$0x3FAC]  }
0x29: {  	s4 =	sld [smem:$0x3FAE]  }
0x2a: {  	p0 =	seq.s32 s5, $0x0;
	s5 =	sld [smem:$0x3FAF]  }
0x2b: {  	s6 =	sld [smem:$0x3FB0]  }
0x2c: {  	s7 =	sld [smem:$0x3FB1]  }
0x2d: {  	s3 =	simm.s32 $0x108;
	s8 =	sld [smem:$0x3FB2]  }
0x2e: {  	s3 =	simm.s32 @!p0 $0x1082;
	s9 =	sld [smem:$0x3FB3]  }
0x2f: {  	lr =	sadd.s32 s0, s3;
	s0 =	sld [smem:$0x3FAA]  }
0x30: {  	s3 =	sld [smem:$0x3FAD]  }
0x31: {  	[smem:$0x3FB6] =	sst s10  }
0x32: {  	s10 =	sld [smem:$0x3FB4];
	_ =	sdelay $0x3  }
0x33: {  	p0 =	seq.s32 s10, $0x1;
	s10 =	sld [smem:$0x3FB6];
	_ =	sdelay $0x3  }
0x34: {  	[smem:$0x3FB6] =	sst s10  }
0x35: {  	s10 =	sld [smem:$0x3FB5];
	_ =	sdelay $0x3  }
0x36: {  	p1 =	seq.s32 s10, $0x1;
	s10 =	sld [smem:$0x3FB6];
	_ =	sdelay $0x3  }
0x37: {  	[smem:$0x3FB6] =	sst s10  }
0x38: {  	s10 =	sld [smem:$0x3FB7]  }
0x39: {  	_ = 	snop;
	(pc) =	sbr.ind lr, $3  }
0x3a: {  	_ = 	snop  }
0x3b: {  	_ = 	snop  }
0x3c: {  	p2 =	seq.s32 s10, $0x1;
	s10 =	sld [smem:$0x3FB6]  }
0x3d: {  	_ =	shalt  }
0x3e: {  	_ =	shalt  }
0x3f: {  	_ =	shalt  }
0x40: {  	_ =	shalt  }
0x41: {  	_ =	shalt  }
0x42: {  	_ =	shalt  }
0x43: {  	_ =	shalt  }
0x44: {  	_ =	shalt  }
0x45: {  	_ =	shalt  }
0x46: {  	_ =	shalt  }
0x47: {  	_ =	shalt  }
0x48: {  	_ =	shalt  }
0x49: {  	_ =	shalt  }
0x4a: {  	_ =	shalt  }
0x4b: {  	_ =	shalt  }
0x4c: {  	_ =	shalt  }
0x4d: {  	_ =	shalt  }
0x4e: {  	_ =	shalt  }
0x4f: {  	_ =	shalt  }
0x50: {  	_ =	shalt  }
0x51: {  	_ =	shalt  }
0x52: {  	_ =	shalt  }
0x53: {  	_ =	shalt  }
0x54: {  	_ =	shalt  }
0x55: {  	_ =	shalt  }
0x56: {  	_ =	shalt  }
0x57: {  	_ =	shalt  }
0x58: {  	_ =	shalt  }
0x59: {  	_ =	shalt  }
0x5a: {  	_ =	shalt  }
0x5b: {  	_ =	shalt  }
0x5c: {  	_ =	shalt  }
0x5d: {  	_ =	shalt  }
0x5e: {  	_ =	shalt  }
0x5f: {  	_ =	shalt  }
0x60: {  	_ =	shalt  }
0x61: {  	_ =	shalt  }
0x62: {  	_ =	shalt  }
0x63: {  	_ =	shalt  }
0x64: {  	_ =	shalt  }
0x65: {  	_ =	shalt  }
0x66: {  	_ =	shalt  }
0x67: {  	_ =	shalt  }
0x68: {  	_ =	shalt  }
0x69: {  	_ =	shalt  }
0x6a: {  	_ =	shalt  }
0x6b: {  	_ =	shalt  }
0x6c: {  	_ =	shalt  }
0x6d: {  	_ =	shalt  }
0x6e: {  	_ =	shalt  }
0x6f: {  	_ =	shalt  }
0x70: {  	_ =	shalt  }
0x71: {  	_ =	shalt  }
0x72: {  	_ =	shalt  }
0x73: {  	_ =	shalt  }
0x74: {  	_ =	shalt  }
0x75: {  	_ =	shalt  }
0x76: {  	_ =	shalt  }
0x77: {  	_ =	shalt  }
0x78: {  	_ =	shalt  }
0x79: {  	_ =	shalt  }
0x7a: {  	_ =	shalt  }
0x7b: {  	_ =	shalt  }
0x7c: {  	_ =	shalt  }
0x7d: {  	_ =	shalt  }
0x7e: {  	_ =	shalt  }
0x7f: {  	_ =	shalt  }
0x80: {  	_ =	shalt  }
0x81: {  	_ =	shalt  }
0x82: {  	_ =	shalt  }
0x83: {  	_ =	shalt  }
0x84: {  	_ =	shalt  }
0x85: {  	_ =	shalt  }
0x86: {  	_ =	shalt  }
0x87: {  	_ =	shalt  }
.Lfunc_end0:
.L_simem_size_0:
called_computation.1_lowered:
.L_overlay_start_0:
0x88: {  	s2 =	sld [smem:$0x3FD9]  }
0x89: {  	s3 =	sld [smem:$0x3FFE];
	_ =	sdelay $0x1  }
0x8a: {  	s1 =	srdreg.scid  }
0x8b: {  	s0 =	sand.u32 $0x1, s1  }
0x8c: {  	s17 =	sshll.u32 s0, $0xA;
	s2 =	sadd.s32 s3, s2  }
0x8d: {  	s2 =	sadd.s32 s2, s17  }
0x8e: {  	[smem:$0x3FC2] =	sst s2  }
0x8f: {  	_ = 	snop  }
0x90: {  	s2 =	sld [smem:$0x3FC8]  }
0x91: {  	s18 =	sld [smem:$0x3FD0];
	(tm) =	ssettm $0x1  }
0x92: {  	s4 =	sld [smem:$0x3FFB];
	_ =	sdelay $0x3  }
0x93: {  	_ =	strace s4  }
0x94: {  	s4 =	sld [smem:$0x3FFC];
	_ =	sdelay $0x3  }
0x95: {  	_ =	strace s4  }
0x96: {  	s4 =	sld [smem:$0x3FFD];
	_ =	sdelay $0x3  }
0x97: {  	_ =	strace s4  }
0x98: {  	_ =	strace $0x8FFFFFFF  }
0x99: {  	s19 =	sld [smem:$0x3FDB];
	_ =	sdelay $0x1  }
0x9a: {  	s5 =	simm.s32 $_scs_section_size  }
0x9b: {  	s6 =	simm.s32 $_size__tile_overlayer_lowered;
	s7 =	simm.s32 $_tile_overlayer_lowered  }
0x9c: {  	s22 =	simm.s32 $0x1BFF;
	s21 =	sshll.u32 s7, $0x1;
	s4 =	sadd.s32 s5, s19  }
0x9d: {  	s8 =	simm.s32 $0x0;
	s20 =	sshll.u32 s6, $0x1;
	s6 =	sadd.s32 s21, s4  }
0x9e: {  	[timem:s8], [sflag:s22] =	dma.local [hbm:s6], s20  }
0x9f: {  	_ =	swait.ge [sflag:s22], s20  }
0xa0: {  	s5 =	ssub.s32 $0x0, s20;
	[sflag:s22] =	ssyncset.done $0x0  }
0xa1: {  	[sflag:s22] =	ssyncadd.s32 s5;
	_ =	sdelay $0x1  }
0xa2: {  	s23 =	simm.s32 $0x1B8B  }
0xa3: {  	_ =	swait.ge [sflag:s23], $0x1  }
0xa4: {  	[sflag:s23] =	ssyncset.done $0x0  }
0xa5: {  	s25 =	simm.s32 $0x1B8E;
	s24 =	sld [smem:$0x3FFE];
	[sflag:s23] =	ssyncadd.s32 $0xFFFFFFFF  }
0xa6: {  	s26 =	simm.s32 $execute0_lowered;
	[smem:$0x3FD2] =	sst s25  }
0xa7: {  	s6 =	sshll.u32 s26, $0x1;
	_ =	strace $0x80000049;
	[dreg:$0x1] =	wrdreg $0xFFFFFFFF  }
0xa8: {  	s28 =	simm.s32 $_size_execute0_lowered;
	s4 =	sadd.s32 s4, s6;
	[dreg:$0x0] =	wrdreg $0x0  }
0xa9: {  	s6 =	sshll.u32 s28, $0x1;
	[dreg:$0x2] =	wrdreg s4  }
0xaa: {  	[dreg:$0x3] =	wrdreg s6  }
0xab: {  	[dreg:$0x4] =	wrdreg $0xC0  }
0xac: {  	_ =	task [dreg:s8], $0x5FFFF  }
0xad: {  	[dreg:$0x1] =	wrdreg $0xFFFFFFFF  }
0xae: {  	[dreg:$0x0] =	wrdreg $0x60  }
0xaf: {  	[dreg:$0x2] =	wrdreg s18  }
0xb0: {  	[dreg:$0x3] =	wrdreg s2  }
0xb1: {  	[dreg:$0x4] =	wrdreg s24  }
0xb2: {  	[dreg:$0x5] =	wrdreg $0xA4000  }
0xb3: {  	[dreg:$0x6] =	wrdreg $0x9  }
0xb4: {  	_ =	task.clear_ibuf [dreg:s8], $0x7FFFF;
	_ =	strace $0x90000049  }
0xb5: {  	s29 =	simm.s32 $0x9;
	_ =	strace $0x8000004B  }
0xb6: {  	_ =	swait.ge [sflag:s29], $0x1  }
0xb7: {  	[sflag:s29] =	ssyncadd.s32 $0xFFFFFFFF  }
0xb8: {  	_ =	strace $0x9000004B  }
0xb9: {  	_ =	sfence  }
0xba: {  	s30 =	sld [smem:$0x0];
	_ =	sdelay $0x2  }
0xbb: {  	s31 =	sshll.u32 s1, $0xD;
	s1 =	sshrl.u32 s1, $0x2  }
0xbc: {  	s3 =	sand.u32 $0x4000, s31;
	s1 =	sadd.s32 s1, s30  }
0xbd: {  	s0 =	sor.u32 s3, s0;
	s1 =	sshll.u32 s1, $0x11  }
0xbe: {  	s0 =	sor.u32 s1, s0  }
0xbf: {  	s0 =	sadd.s32 $0x8F2B, s0  }
0xc0: {  	[sflag:s0] =	ssyncadd.remote.s32 $0x1  }
0xc1: {  	_ =	sfence.sel $0xFFFF  }
0xc2: {  	[dreg:$0x0] =	wrdreg $0xFFFFFFFF;
	(pc) =	sbr.abs _section_cstart, $3  }
0xc3: {  	[dreg:$0x1] =	wrdreg $0xFFFFFFFF  }
0xc4: {  	_ =	task.clear_ibuf [dreg:s8], $0x2FFFF;
	_ =	strace $0x9FFFFFFF  }
0xc5: {  	(tm) =	ssettm $0x7FFFFFFF  }
tec
execute0_lowered:
.L_overlay_start_1:
0x0: {  	(tag) =	ssettag $0x1  }
0x1: {  	s1 =	rddreg [dreg:$0x0]  }
0x2: {  	s0 =	srdreg.scid;
	s5 =	rddreg [dreg:$0x1]  }
0x3: {  	s13 =	stileid.u32;
	s4 =	rddreg [dreg:$0x2]  }
0x4: {  	s0 =	sand.u32 $0x1, s0;
	s3 =	sshll.u32 s13, $0x1;
	s6 =	smul.u32 $0x14000, s13  }
0x5: {  	s14 =	simm.s32 $0x0;
	s2 =	smul.u32 $0x140000, s0;
	s7 =	sor.u32 s0, s3  }
0x6: {  	[smem:$0x7FF] =	sst s14;
	s8 =	smul.u32 $0x2710, s7  }
0x7: {  	s3 =	rddreg [dreg:$0x3];
	s20 =	ssub.s32 $0x2, s0;
	s2 =	sadd.s32 s6, s2  }
0x8: {  	s21 =	sshrl.u32 s20, $0x1;
	s2 =	sshrl.u32 s2, $0x3;
	s7 =	sand.u32 $0x7FF80, s8  }
0x9: {  	s2 =	sadd.s32 s2, s4;
	s9 =	smin.u32 s7, $0x4B900;
	s4 =	ssub.s32 s20, s21  }
0xa: {  	s7 =	ssub.s32 s8, s9;
	s22 =	sshrl.u32 s9, $0x2;
	s8 =	sand.u32 $0x70, s8  }
0xb: {  	s5 =	sadd.s32 s5, s22;
	s23 =	sshll.u32 s7, $0x1;
	s24 =	sadd.s32 $0x10, s7  }
0xc: {  	s10 =	sadd.s32 $0x20, s7;
	s12 =	sadd.s32 $0x30, s7;
	s15 =	sadd.s32 $0x50, s7  }
0xd: {  	s17 =	sadd.s32 $0x60, s7;
	s21 =	sadd.s32 $0x70, s7;
	[dreg:$0x5] =	wrdreg s5  }
0xe: {  	s5 =	smul.u32 $0x50000, s13;
	s6 =	sand.u32 $0xFFFFFF00, s23;
	s25 =	sshll.u32 s24, $0x1  }
0xf: {  	s9 =	sand.u32 $0x70, s24;
	s11 =	sshll.u32 s10, $0x1;
	s10 =	sand.u32 $0x70, s10  }
0x10: {  	s16 =	sshll.u32 s15, $0x1;
	s19 =	sshll.u32 s17, $0x1;
	s20 =	sand.u32 $0x70, s17  }
0x11: {  	s22 =	sshll.u32 s21, $0x1;
	s23 =	sadd.s32 $0x90, s7;
	s17 =	sadd.s32 $0x26E0, s7  }
0x12: {  	s6 =	sor.u32 s8, s6;
	s8 =	sand.u32 $0xFFFFFF00, s25;
	s11 =	sand.u32 $0xFFFFFF00, s11  }
0x13: {  	s24 =	sshll.u32 s23, $0x1;
	s25 =	sand.u32 $0x70, s23;
	s23 =	smul.u32 $0x9C40, s13  }
0x14: {  	s8 =	sor.u32 s9, s8;
	s26 =	sor.u32 s10, s11;
	s9 =	sshll.u32 s12, $0x1  }
0x15: {  	s10 =	sand.u32 $0x70, s12;
	s11 =	sadd.s32 $0x40, s7;
	[dreg:$0x6] =	wrdreg s8  }
0x16: {  	s5 =	sshrl.u32 s5, $0x2;
	[dreg:$0x7] =	wrdreg s26;
	s8 =	sand.u32 $0xFFFFFF00, s9  }
0x17: {  	s12 =	sshll.u32 s11, $0x1;
	s9 =	sand.u32 $0x70, s15;
	s26 =	sand.u32 $0xFFFFFF00, s24  }
0x18: {  	s8 =	sor.u32 s10, s8;
	s10 =	sand.u32 $0x70, s11;
	s11 =	sand.u32 $0xFFFFFF00, s16  }
0x19: {  	[dreg:$0x8] =	wrdreg s8;
	s8 =	sand.u32 $0xFFFFFF00, s12;
	s18 =	sor.u32 s9, s11  }
0x1a: {  	s11 =	sadd.s32 $0x26D0, s7;
	s8 =	sor.u32 s10, s8;
	[dreg:$0xa] =	wrdreg s18  }
0x1b: {  	s10 =	sand.u32 $0x70, s21;
	s15 =	sshll.u32 s11, $0x1;
	s9 =	sand.u32 $0x70, s11  }
0x1c: {  	s18 =	sand.u32 $0x70, s17;
	[dreg:$0x9] =	wrdreg s8;
	s8 =	sand.u32 $0xFFFFFF00, s19  }
0x1d: {  	s11 =	sand.u32 $0xFFFFFF00, s15;
	s19 =	smul.u32 $0x4E20, s13;
	s13 =	simm.s32 $0x0  }
0x1e: {  	s8 =	sor.u32 s20, s8;
	s16 =	sor.u32 s9, s11;
	s20 =	smul.u32 $0x2710, s0  }
0x1f: {  	s0 =	smul.u32 $0x4E20, s0;
	s9 =	simm.s32 $0x1;
	[dreg:$0xb] =	wrdreg s8  }
0x20: {  	s11 =	simm.s32 $0x2;
	s8 =	sand.u32 $0xFFFFFF00, s22;
	[dreg:$0xf] =	wrdreg s16  }
0x21: {  	s8 =	sor.u32 s10, s8;
	s10 =	sadd.s32 $0x26C0, s7;
	s7 =	sadd.s32 $0x26F0, s7  }
0x22: {  	s22 =	sadd.s32 s20, s19;
	s19 =	sadd.s32 s5, s3;
	s0 =	sadd.s32 s0, s23  }
0x23: {  	s23 =	sadd.s32 $0x2000, s2;
	s2 =	simm.s32 $0x3;
	s5 =	simm.s32 $0x5200  }
0x24: {  	[dreg:$0xc] =	wrdreg s8;
	s8 =	sor.u32 s25, s26;
	s12 =	sand.u32 $0x70, s10  }
0x25: {  	s21 =	sand.u32 $0x70, s7;
	s7 =	sshll.u32 s7, $0x1;
	s24 =	sand.u32 $0xFFF80, s22  }
0x26: {  	s28 =	sadd.s32 $0xA000, s19;
	s29 =	sadd.s32 $0xC800, s19;
	s30 =	sadd.s32 $0xF000, s19  }
0x27: {  	s31 =	sadd.s32 $0x11800, s19;
	[dreg:$0xd] =	wrdreg s8;
	s8 =	sshll.u32 s10, $0x1  }
0x28: {  	s7 =	sand.u32 $0xFFFFFF00, s7;
	s10 =	simm.s32 $0x5300;
	s8 =	sand.u32 $0xFFFFFF00, s8  }
0x29: {  	s7 =	sor.u32 s21, s7;
	s21 =	sadd.s32 $0x2800, s19;
	s8 =	sor.u32 s12, s8  }
0x2a: {  	[dreg:$0x11] =	wrdreg s7;
	s7 =	smin.u32 s24, $0x4B900;
	s24 =	smax.u32 s4, $0x1  }
0x2b: {  	s4 =	simm.s32 $0x5400;
	s12 =	simm.s32 $0x5380;
	[dreg:$0xe] =	wrdreg s8  }
.Ltmp0:
0x2c: {  	s8 =	sshll.u32 s17, $0x1;
	s25 =	sshll.u32 s7, $0x1;
	(pc) =	sbr.rel .LBB2_1-.Ltmp0, $4  }
0x2d: {  	s26 =	ssub.s32 s22, s7;
	s22 =	sadd.s32 $0x5000, s19;
	s8 =	sand.u32 $0xFFFFFF00, s8  }
0x2e: {  	s7 =	simm.s32 $0x5280;
	s20 =	ssub.s32 s0, s25;
	s8 =	sor.u32 s18, s8  }
0x2f: {  	s15 =	sadd.s32 $0x130, s26;
	s26 =	sadd.s32 $0x7800, s19;
	[dreg:$0x10] =	wrdreg s8  }
0x30: {  	v0 =	vimm.f32 $0.0e+00;
	s0 =	simm.s32 $0x50;
	s8 =	simm.s32 $0x7C00;
	_ =	strace $0x8000004A  }
.LBB2_6:
0x31: {  	_ =	swait.ge [sflag:s9], $0x2800  }
0x32: {  	[sflag:s9] =	ssyncset.done $0x0  }
0x33: {  	s14 =	rddreg [dreg:$0xe];
	[sflag:s9] =	ssyncadd.s32 $0xFFFFD800  }
0x34: {  	v1 =	vld [tilespmem:s14+$0x80];
	_ =	sdelay $0x4  }
0x35: {  	s16 =	rddreg [dreg:$0xf];
	[tilespmem:$0x5300] =	vst v1  }
0x36: {  	v1 =	vld [tilespmem:s16+$0x80];
	_ =	sdelay $0x4  }
0x37: {  	s17 =	rddreg [dreg:$0x10];
	[tilespmem:$0x5310] =	vst v1  }
0x38: {  	v1 =	vld [tilespmem:s17+$0x80];
	_ =	sdelay $0x4  }
0x39: {  	s18 =	rddreg [dreg:$0x11];
	[tilespmem:$0x5320] =	vst v1  }
0x3a: {  	v1 =	vld [tilespmem:s18+$0x80];
	_ =	sdelay $0x4  }
0x3b: {  	[tilespmem:$0x5330] =	vst v1  }
0x3c: {  	v1 =	vld [tilespmem:s6+$0x4E80];
	_ =	sdelay $0x4  }
0x3d: {  	[tilespmem:$0x5340] =	vst v1  }
0x3e: {  	[spmem:s3] =	stream.indirect.scatter.add.f32 [tilespmem:s4], [sflag:$0x3], $0x80, s10, s0, $0xb8;
	[tilespmem:$0x1E400] =	vst v63  }
0x3f: {  	s25 =	stileid.u32;
	_ =	swait.ge [sflag:s2], $0x2800  }
0x40: {  	s13 =	sadd.s32 $0x1, s13;
	s14 =	sshll.u32 s25, $0x6;
	[sflag:s2] =	ssyncset.done $0x0  }
0x41: {  	p0 =	sne.s32 s13, s24;
	s14 =	sor.u32 $0x1C03, s14;
	[sflag:s2] =	ssyncadd.s32 $0xFFFFD800  }
.Ltmp1:
0x42: {  	s16 =	sshrl.u32 s19, $0x3;
	[bflag:$0x0] =	sbarrier.arrive $0xFFFF;
	(pc) =	sbr.rel @!p0 .LBB2_7-.Ltmp1, $4  }
0x43: {  	[hbm:s23], [sflag:s14] =	dma.local [spmem:s16], $0x2800  }
0x44: {  	_ =	swait.ge [sflag:s2], $0x2800  }
0x45: {  	[sflag:s2] =	ssyncset.done $0x0  }
0x46: {  	[sflag:s2] =	ssyncadd.s32 $0xFFFFD800  }
.LBB2_1:
0x47: {  	s14 =	simm.s32 $0x0;
	s16 =	rddreg [dreg:$0x5]  }
0x48: {  	[tilespmem:s14], [sflag:$0x3] =	stream.linear.gather [hbm4b:s16+s14], $0x5200, $0x38;
	[tilespmem:$0x1E400] =	vst v63  }
0x49: {  	_ =	swait.ge [sflag:s2], $0x5200  }
0x4a: {  	[sflag:s2] =	ssyncset.done $0x0  }
0x4b: {  	s14 =	simm.s32 $0x0;
	s16 =	simm.s32 $0x200;
	[sflag:s2] =	ssyncadd.s32 $0xFFFFAE00  }
.LBB2_2:
0x4c: {  	p0 =	sne.s32 s16, $0x9E00;
	[tilespmem:s14+$0x5470] =	vst v0  }
0x4d: {  	[tilespmem:s14+$0x5400] =	vst v0  }
0x4e: {  	[tilespmem:s14+$0x5410] =	vst v0  }
.Ltmp2:
0x4f: {  	[tilespmem:s14+$0x5420] =	vst v0;
	(pc) =	sbr.rel @p0 .LBB2_2-.Ltmp2, $4  }
0x50: {  	[tilespmem:s14+$0x5430] =	vst v0  }
0x51: {  	[tilespmem:s14+$0x5440] =	vst v0  }
0x52: {  	[tilespmem:s14+$0x5450] =	vst v0  }
0x53: {  	[tilespmem:s14+$0x5460] =	vst v0;
	s14 =	sshra.s32 s16, $0x2;
	s16 =	sadd.s32 $0x200, s16  }
0x54: {  	[tilespmem:s14+$0x5470] =	vst v0  }
0x55: {  	[tilespmem:s14+$0x5400] =	vst v0  }
0x56: {  	[tilespmem:s14+$0x5410] =	vst v0  }
0x57: {  	[tilespmem:s14+$0x5420] =	vst v0  }
0x58: {  	[tilespmem:s14+$0x5430] =	vst v0  }
0x59: {  	[tilespmem:s14+$0x5440] =	vst v0  }
0x5a: {  	[tilespmem:s14+$0x5450] =	vst v0  }
0x5b: {  	[tilespmem:s14+$0x5460] =	vst v0  }
0x5c: {  	[spmem:s19] =	stream.linear.scatter [tilespmem:s4], [sflag:$0x3], $0x2800, $0x38;
	[tilespmem:$0x1E400] =	vst v63  }
0x5d: {  	_ =	swait.ge [sflag:s2], $0x2800  }
0x5e: {  	[sflag:s2] =	ssyncset.done $0x0  }
0x5f: {  	[sflag:s2] =	ssyncadd.s32 $0xFFFFD800  }
0x60: {  	[spmem:s21] =	stream.linear.scatter [tilespmem:s4], [sflag:$0x3], $0x2800, $0x38;
	[tilespmem:$0x1E400] =	vst v63  }
0x61: {  	_ =	swait.ge [sflag:s2], $0x2800  }
0x62: {  	[sflag:s2] =	ssyncset.done $0x0  }
0x63: {  	[sflag:s2] =	ssyncadd.s32 $0xFFFFD800  }
0x64: {  	[spmem:s22] =	stream.linear.scatter [tilespmem:s4], [sflag:$0x3], $0x2800, $0x38;
	[tilespmem:$0x1E400] =	vst v63  }
0x65: {  	_ =	swait.ge [sflag:s2], $0x2800  }
0x66: {  	[sflag:s2] =	ssyncset.done $0x0  }
0x67: {  	[sflag:s2] =	ssyncadd.s32 $0xFFFFD800  }
0x68: {  	[spmem:s26] =	stream.linear.scatter [tilespmem:s4], [sflag:$0x3], $0x2800, $0x38;
	[tilespmem:$0x1E400] =	vst v63  }
0x69: {  	_ =	swait.ge [sflag:s2], $0x2800  }
0x6a: {  	[sflag:s2] =	ssyncset.done $0x0  }
0x6b: {  	[sflag:s2] =	ssyncadd.s32 $0xFFFFD800  }
0x6c: {  	[spmem:s28] =	stream.linear.scatter [tilespmem:s4], [sflag:$0x3], $0x2800, $0x38;
	[tilespmem:$0x1E400] =	vst v63  }
0x6d: {  	_ =	swait.ge [sflag:s2], $0x2800  }
0x6e: {  	[sflag:s2] =	ssyncset.done $0x0  }
0x6f: {  	[sflag:s2] =	ssyncadd.s32 $0xFFFFD800  }
0x70: {  	[spmem:s29] =	stream.linear.scatter [tilespmem:s4], [sflag:$0x3], $0x2800, $0x38;
	[tilespmem:$0x1E400] =	vst v63  }
0x71: {  	_ =	swait.ge [sflag:s2], $0x2800  }
0x72: {  	[sflag:s2] =	ssyncset.done $0x0  }
0x73: {  	[sflag:s2] =	ssyncadd.s32 $0xFFFFD800  }
0x74: {  	[spmem:s30] =	stream.linear.scatter [tilespmem:s4], [sflag:$0x3], $0x2800, $0x38;
	[tilespmem:$0x1E400] =	vst v63  }
0x75: {  	_ =	swait.ge [sflag:s2], $0x2800  }
0x76: {  	[sflag:s2] =	ssyncset.done $0x0  }
0x77: {  	[sflag:s2] =	ssyncadd.s32 $0xFFFFD800  }
0x78: {  	[spmem:s31] =	stream.linear.scatter [tilespmem:s4], [sflag:$0x3], $0x2800, $0x38;
	[tilespmem:$0x1E400] =	vst v63  }
0x79: {  	_ =	swait.ge [sflag:s2], $0x2800  }
0x7a: {  	[sflag:s2] =	ssyncset.done $0x0  }
0x7b: {  	[sflag:s2] =	ssyncadd.s32 $0xFFFFD800  }
0x7c: {  	[bflag:$0x0] =	sbarrier.arrive $0xFFFF  }
0x7d: {  	v1 =	vld [tilespmem:s6+$0x0];
	_ =	sdelay $0x4  }
0x7e: {  	s16 =	rddreg [dreg:$0x6];
	[tilespmem:$0x5200] =	vst v1  }
0x7f: {  	v1 =	vld [tilespmem:s16+$0x0];
	_ =	sdelay $0x4  }
0x80: {  	s17 =	rddreg [dreg:$0x7];
	[tilespmem:$0x5210] =	vst v1  }
0x81: {  	v1 =	vld [tilespmem:s17+$0x0];
	_ =	sdelay $0x4  }
0x82: {  	s18 =	rddreg [dreg:$0x8];
	[tilespmem:$0x5220] =	vst v1  }
0x83: {  	v1 =	vld [tilespmem:s18+$0x0];
	_ =	sdelay $0x4  }
0x84: {  	s25 =	rddreg [dreg:$0x9];
	[tilespmem:$0x5230] =	vst v1  }
0x85: {  	v1 =	vld [tilespmem:s25+$0x0];
	_ =	sdelay $0x4  }
0x86: {  	s16 =	rddreg [dreg:$0xa];
	[tilespmem:$0x5240] =	vst v1  }
0x87: {  	[tilespmem:s4], [sflag:$0x1] =	stream.indirect.gather [hbm4b:s1+s0], $0x80, s5, s0, $0xb8;
	[tilespmem:$0x1E400] =	vst v63  }
0x88: {  	v1 =	vld [tilespmem:s16+$0x0];
	_ =	sdelay $0x4  }
0x89: {  	s17 =	rddreg [dreg:$0xb];
	[tilespmem:$0x5280] =	vst v1  }
0x8a: {  	v1 =	vld [tilespmem:s17+$0x0];
	_ =	sdelay $0x4  }
0x8b: {  	s18 =	rddreg [dreg:$0xc];
	[tilespmem:$0x5290] =	vst v1  }
0x8c: {  	v1 =	vld [tilespmem:s18+$0x0];
	_ =	sdelay $0x4  }
0x8d: {  	[tilespmem:$0x52A0] =	vst v1  }
0x8e: {  	v1 =	vld [tilespmem:s6+$0x100];
	_ =	sdelay $0x4  }
0x8f: {  	s25 =	rddreg [dreg:$0xd];
	[tilespmem:$0x52B0] =	vst v1  }
0x90: {  	v1 =	vld [tilespmem:s25+$0x0];
	_ =	sdelay $0x4  }
0x91: {  	s14 =	simm.s32 $0x0;
	s25 =	smov.u32 s15;
	[tilespmem:$0x52C0] =	vst v1  }
0x92: {  	[tilespmem:s8], [sflag:$0x2] =	stream.indirect.gather [hbm4b:s1+s0], $0x80, s7, s0, $0xb8;
	[tilespmem:$0x1E400] =	vst v63  }
.LBB2_4:
0x93: {  	_ =	swait.ge [sflag:s9], $0x2800;
	s17 =	sadd.s32 $0xFFFFFED0, s25;
	s16 =	sadd.s32 s14, s20  }
0x94: {  	[sflag:s9] =	ssyncset.done $0x0;
	s17 =	sand.u32 $0x70, s17;
	s18 =	sand.u32 $0xFFFFFF00, s16  }
0x95: {  	[sflag:s9] =	ssyncadd.s32 $0xFFFFD800;
	s17 =	sor.u32 s17, s18  }
0x96: {  	v1 =	vld [tilespmem:s17+$0x80];
	_ =	sdelay $0x2  }
0x97: {  	s18 =	sadd.s32 $0x20, s16;
	s17 =	sadd.s32 $0xFFFFFEE0, s25  }
0x98: {  	s18 =	sand.u32 $0xFFFFFF00, s18;
	s17 =	sand.u32 $0x70, s17  }
0x99: {  	s17 =	sor.u32 s17, s18;
	[tilespmem:$0x5300] =	vst v1  }
0x9a: {  	v1 =	vld [tilespmem:s17+$0x80];
	_ =	sdelay $0x2  }
0x9b: {  	s18 =	sadd.s32 $0x40, s16;
	s17 =	sadd.s32 $0xFFFFFEF0, s25  }
0x9c: {  	s18 =	sand.u32 $0xFFFFFF00, s18;
	s17 =	sand.u32 $0x70, s17  }
0x9d: {  	s17 =	sor.u32 s17, s18;
	[tilespmem:$0x5310] =	vst v1  }
0x9e: {  	v1 =	vld [tilespmem:s17+$0x80];
	_ =	sdelay $0x2  }
0x9f: {  	s18 =	sadd.s32 $0x60, s16;
	s17 =	sadd.s32 $0xFFFFFF00, s25  }
0xa0: {  	s18 =	sand.u32 $0xFFFFFF00, s18;
	s17 =	sand.u32 $0x70, s17  }
0xa1: {  	s17 =	sor.u32 s17, s18;
	[tilespmem:$0x5320] =	vst v1  }
0xa2: {  	v1 =	vld [tilespmem:s17+$0x80];
	_ =	sdelay $0x2  }
0xa3: {  	s18 =	sadd.s32 $0x80, s16;
	s17 =	sadd.s32 $0xFFFFFF10, s25  }
0xa4: {  	s18 =	sand.u32 $0xFFFFFF00, s18;
	s17 =	sand.u32 $0x70, s17  }
0xa5: {  	s17 =	sor.u32 s17, s18;
	[tilespmem:$0x5330] =	vst v1  }
0xa6: {  	v1 =	vld [tilespmem:s17+$0x80];
	_ =	sdelay $0x4  }
0xa7: {  	[tilespmem:$0x5340] =	vst v1  }
0xa8: {  	[spmem:s3] =	stream.indirect.scatter.add.f32 [tilespmem:s4], [sflag:$0x3], $0x80, s10, s0, $0xb8;
	[tilespmem:$0x1E400] =	vst v63  }
0xa9: {  	s18 =	sadd.s32 $0x140, s16;
	s17 =	sadd.s32 $0xFFFFFF70, s25;
	_ =	swait.ge [sflag:s2], $0x2800  }
0xaa: {  	s18 =	sand.u32 $0xFFFFFF00, s18;
	s17 =	sand.u32 $0x70, s17;
	[sflag:s2] =	ssyncset.done $0x0  }
0xab: {  	s17 =	sor.u32 s17, s18;
	[sflag:s2] =	ssyncadd.s32 $0xFFFFD800  }
0xac: {  	v1 =	vld [tilespmem:s17+$0x0];
	_ =	sdelay $0x2  }
0xad: {  	s18 =	sadd.s32 $0x160, s16;
	s17 =	sadd.s32 $0xFFFFFF80, s25  }
0xae: {  	s18 =	sand.u32 $0xFFFFFF00, s18;
	s17 =	sand.u32 $0x70, s17  }
0xaf: {  	s17 =	sor.u32 s17, s18;
	[tilespmem:$0x5200] =	vst v1  }
0xb0: {  	v1 =	vld [tilespmem:s17+$0x0];
	_ =	sdelay $0x2  }
0xb1: {  	s18 =	sadd.s32 $0x180, s16;
	s17 =	sadd.s32 $0xFFFFFF90, s25  }
0xb2: {  	s18 =	sand.u32 $0xFFFFFF00, s18;
	s17 =	sand.u32 $0x70, s17  }
0xb3: {  	s17 =	sor.u32 s17, s18;
	[tilespmem:$0x5210] =	vst v1  }
0xb4: {  	v1 =	vld [tilespmem:s17+$0x0];
	_ =	sdelay $0x2  }
0xb5: {  	s18 =	sadd.s32 $0x1A0, s16;
	s17 =	sadd.s32 $0xFFFFFFA0, s25  }
0xb6: {  	s18 =	sand.u32 $0xFFFFFF00, s18;
	s17 =	sand.u32 $0x70, s17  }
0xb7: {  	s17 =	sor.u32 s17, s18;
	[tilespmem:$0x5220] =	vst v1  }
0xb8: {  	v1 =	vld [tilespmem:s17+$0x0];
	_ =	sdelay $0x2  }
0xb9: {  	s18 =	sadd.s32 $0x1C0, s16;
	s17 =	sadd.s32 $0xFFFFFFB0, s25  }
0xba: {  	s18 =	sand.u32 $0xFFFFFF00, s18;
	s17 =	sand.u32 $0x70, s17  }
0xbb: {  	s17 =	sor.u32 s17, s18;
	[tilespmem:$0x5230] =	vst v1  }
0xbc: {  	v1 =	vld [tilespmem:s17+$0x0];
	_ =	sdelay $0x4  }
0xbd: {  	[tilespmem:$0x5240] =	vst v1  }
0xbe: {  	[tilespmem:s4], [sflag:$0x1] =	stream.indirect.gather [hbm4b:s1+s0], $0x80, s5, s0, $0xb8;
	[tilespmem:$0x1E400] =	vst v63  }
0xbf: {  	s18 =	sadd.s32 $0xA0, s16;
	s17 =	sadd.s32 $0xFFFFFF20, s25;
	_ =	swait.ge [sflag:s11], $0x2800  }
0xc0: {  	s18 =	sand.u32 $0xFFFFFF00, s18;
	s17 =	sand.u32 $0x70, s17;
	[sflag:s11] =	ssyncset.done $0x0  }
0xc1: {  	s17 =	sor.u32 s17, s18;
	[sflag:s11] =	ssyncadd.s32 $0xFFFFD800  }
0xc2: {  	v1 =	vld [tilespmem:s17+$0x80];
	_ =	sdelay $0x2  }
0xc3: {  	s18 =	sadd.s32 $0xC0, s16;
	s17 =	sadd.s32 $0xFFFFFF30, s25  }
0xc4: {  	s18 =	sand.u32 $0xFFFFFF00, s18;
	s17 =	sand.u32 $0x70, s17  }
0xc5: {  	s17 =	sor.u32 s17, s18;
	[tilespmem:$0x5380] =	vst v1  }
0xc6: {  	v1 =	vld [tilespmem:s17+$0x80];
	_ =	sdelay $0x2  }
0xc7: {  	s18 =	sadd.s32 $0xE0, s16;
	s17 =	sadd.s32 $0xFFFFFF40, s25  }
0xc8: {  	s18 =	sand.u32 $0xFFFFFF00, s18;
	s17 =	sand.u32 $0x70, s17  }
0xc9: {  	s17 =	sor.u32 s17, s18;
	[tilespmem:$0x5390] =	vst v1  }
0xca: {  	v1 =	vld [tilespmem:s17+$0x80];
	_ =	sdelay $0x2  }
0xcb: {  	s18 =	sadd.s32 $0x100, s16;
	s17 =	sadd.s32 $0xFFFFFF50, s25  }
0xcc: {  	s18 =	sand.u32 $0xFFFFFF00, s18;
	s17 =	sand.u32 $0x70, s17  }
0xcd: {  	s17 =	sor.u32 s17, s18;
	[tilespmem:$0x53A0] =	vst v1  }
0xce: {  	v1 =	vld [tilespmem:s17+$0x80];
	_ =	sdelay $0x2  }
0xcf: {  	s18 =	sadd.s32 $0x120, s16;
	s17 =	sadd.s32 $0xFFFFFF60, s25  }
0xd0: {  	s18 =	sand.u32 $0xFFFFFF00, s18;
	s17 =	sand.u32 $0x70, s17  }
0xd1: {  	s17 =	sor.u32 s17, s18;
	[tilespmem:$0x53B0] =	vst v1  }
0xd2: {  	v1 =	vld [tilespmem:s17+$0x80];
	_ =	sdelay $0x3  }
0xd3: {  	p0 =	seq.s32 s14, $0x4C40  }
.Ltmp3:
0xd4: {  	[tilespmem:$0x53C0] =	vst v1;
	(pc) =	sbr.rel @p0 .LBB2_6-.Ltmp3, $4  }
0xd5: {  	[spmem:s3] =	stream.indirect.scatter.add.f32 [tilespmem:s8], [sflag:$0x3], $0x80, s12, s0, $0xb8;
	[tilespmem:$0x1E400] =	vst v63  }
0xd6: {  	_ =	swait.ge [sflag:s2], $0x2800  }
0xd7: {  	[sflag:s2] =	ssyncset.done $0x0  }
0xd8: {  	[sflag:s2] =	ssyncadd.s32 $0xFFFFD800  }
0xd9: {  	s17 =	sadd.s32 $0xFFFFFFC0, s25;
	s18 =	sadd.s32 $0x1E0, s16  }
0xda: {  	s17 =	sand.u32 $0x70, s17;
	s18 =	sand.u32 $0xFFFFFF00, s18  }
0xdb: {  	s17 =	sor.u32 s17, s18  }
0xdc: {  	v1 =	vld [tilespmem:s17+$0x0];
	_ =	sdelay $0x2  }
0xdd: {  	s18 =	sadd.s32 $0x200, s16;
	s17 =	sadd.s32 $0xFFFFFFD0, s25  }
0xde: {  	s18 =	sand.u32 $0xFFFFFF00, s18;
	s17 =	sand.u32 $0x70, s17  }
0xdf: {  	s17 =	sor.u32 s17, s18;
	[tilespmem:$0x5280] =	vst v1  }
0xe0: {  	v1 =	vld [tilespmem:s17+$0x0];
	_ =	sdelay $0x2  }
0xe1: {  	s18 =	sadd.s32 $0x220, s16;
	s17 =	sadd.s32 $0xFFFFFFE0, s25  }
0xe2: {  	s18 =	sand.u32 $0xFFFFFF00, s18;
	s17 =	sand.u32 $0x70, s17  }
0xe3: {  	s17 =	sor.u32 s17, s18;
	[tilespmem:$0x5290] =	vst v1  }
0xe4: {  	v1 =	vld [tilespmem:s17+$0x0];
	_ =	sdelay $0x2  }
0xe5: {  	s18 =	sadd.s32 $0x240, s16;
	s17 =	sadd.s32 $0xFFFFFFF0, s25  }
0xe6: {  	s18 =	sand.u32 $0xFFFFFF00, s18;
	s17 =	sand.u32 $0x70, s17  }
0xe7: {  	s17 =	sor.u32 s17, s18;
	[tilespmem:$0x52A0] =	vst v1  }
0xe8: {  	v1 =	vld [tilespmem:s17+$0x0];
	_ =	sdelay $0x2  }
0xe9: {  	s17 =	sadd.s32 $0x260, s16  }
0xea: {  	s18 =	sand.u32 $0x70, s25;
	s16 =	sand.u32 $0xFFFFFF00, s17  }
0xeb: {  	s16 =	sor.u32 s18, s16;
	[tilespmem:$0x52B0] =	vst v1  }
0xec: {  	v1 =	vld [tilespmem:s16+$0x0];
	_ =	sdelay $0x1  }
.Ltmp4:
0xed: {  	_ = 	snop;
	(pc) =	sbr.rel .LBB2_4-.Ltmp4, $3  }
0xee: {  	_ =	sdelay $0x1  }
0xef: {  	s14 =	sadd.s32 $0x140, s14;
	s25 =	sadd.s32 $0xA0, s25;
	[tilespmem:$0x52C0] =	vst v1  }
0xf0: {  	[tilespmem:s8], [sflag:$0x2] =	stream.indirect.gather [hbm4b:s1+s0], $0x80, s7, s0, $0xb8;
	[tilespmem:$0x1E400] =	vst v63  }
.LBB2_7:
0xf1: {  	_ =	sfence.sel $0x180000  }
0xf2: {  	[bflag:$0x0] =	sbarrier.arrive $0xFFFF  }
0xf3: {  	_ =	strace $0x9000004A  }
0xf4: {  	s0 =	stileid.u32;
	[bflag:$0x2] =	sbarrier.arrive $0xFFFF  }
0xf5: {  	p0 =	sne.s32 s0, $0x0;
	s0 =	rddreg [dreg:$0x4]  }
0xf6: {  	s0 =	sadd.s32 @!p0 $0x100000, s0  }
0xf7: {  	[sflag:s0] =	ssyncadd.tile.s32 @!p0 $0x1;
	_ =	shalt  }
.Lfunc_end2:
_tile_overlayer_lowered:
.L_overlay_start_2:
0xf8: {  	(tag) =	ssettag $0x2  }
0xf9: {  	s0 =	rddreg [dreg:$0x0];
	s2 =	stileid.u32  }
0xfa: {  	s1 =	rddreg [dreg:$0x1];
	p0 =	sne.s32 s2, $0x0  }
0xfb: {  	s3 =	rddreg [dreg:$0x2];
	[bflag:$0x3] =	sbarrier.arrive $0xFFFF;
	s2 =	simm.s32 @!p0 $0x1C03  }
0xfc: {  	[timem:s3], [sflag:s2] =	dma.local @!p0 [hbm:s0], s1  }
0xfd: {  	s0 =	simm.s32 @!p0 $0x3  }
0xfe: {  	_ =	swait.ge @!p0 [sflag:s0], s1  }
0xff: {  	s1 =	ssub.s32 @!p0 $0x0, s1;
	[sflag:s0] =	ssyncset.done @!p0 $0x0  }
0x100: {  	[sflag:s0] =	ssyncadd.s32 @!p0 s1  }
0x101: {  	[bflag:$0x3] =	sbarrier.arrive $0xFFFF  }
0x102: {  	_ =	shalt  }

// kernel: kernel.7.cloned.1.call-start
scs
__scs_entry_jumppad:
0x0: {  	(pc) =	sbr.rel $0x88, $3  }
0x1: {  	(tag) =	ssettag $0x0;
	lr =	simm.s32 $0x1  }
0x2: {  	[smem:$0x3F9B] =	sst lr;
	_ =	strace $0xD0000000  }
0x3: {  	_ = 	snop  }
0x4: {  	_ = 	snop  }
0x5: {  	_ = 	snop  }
0x6: {  	_ = 	snop  }
0x7: {  	_ = 	snop  }
__scs_overlays_trampoline_lowered:
0x8: {  	[smem:$0x3FAA] =	sst s0  }
0x9: {  	[smem:$0x3FAB] =	sst s1  }
0xa: {  	[smem:$0x3FAC] =	sst s2  }
0xb: {  	[smem:$0x3FAD] =	sst s3  }
0xc: {  	[smem:$0x3FAE] =	sst s4  }
0xd: {  	[smem:$0x3FAF] =	sst s5  }
0xe: {  	[smem:$0x3FB0] =	sst s6  }
0xf: {  	[smem:$0x3FB1] =	sst s7  }
0x10: {  	[smem:$0x3FB2] =	sst s8  }
0x11: {  	[smem:$0x3FB3] =	sst s9;
	s0 =	simm.s32 @!p0 $0x0  }
0x12: {  	s1 =	sld [smem:$0x3F99];
	s0 =	simm.s32 @p0 $0x1  }
0x13: {  	[smem:$0x3FB4] =	sst s0;
	s0 =	simm.s32 @!p1 $0x0  }
0x14: {  	s2 =	sld [smem:$0x3F98];
	s0 =	simm.s32 @p1 $0x1  }
0x15: {  	[smem:$0x3FB5] =	sst s0;
	s0 =	simm.s32 @!p2 $0x0  }
0x16: {  	s3 =	sld [smem:$0x3FDB];
	s0 =	simm.s32 @p2 $0x1  }
0x17: {  	s4 =	simm.s32 $0x1BF5;
	[smem:$0x3FB7] =	sst s0  }
0x18: {  	s0 =	sld [smem:$0x3F9A];
	_ =	swait.ge [sflag:s4], $0x0  }
0x19: {  	s7 =	sld [smem:$0x3F9B]  }
0x1a: {  	s8 =	sadd.s32 $0xFFFFE003, lr  }
0x1b: {  	s9 =	sadd.s32 $0xFFFFFEF7, lr;
	s5 =	simm.s32 $0xFFFFFFFF;
	p2 =	slt.u32 s8, $0xFFFFF086  }
0x1c: {  	p1 =	slt.u32 s9, $0xF7A;
	s5 =	simm.s32 @!p2 $0x0  }
0x1d: {  	s5 =	simm.s32 @p1 $0x1;
	p0 =	seq.s32 s7, s2  }
0x1e: {  	s7 =	smul.u32 @!p0 $0xF7A, s2;
	p2 =	seq.s32 @!p0 s5, $0x0  }
0x1f: {  	s9 =	smul.u32 $0xF7A, s1;
	s8 =	simm.s32 @!p0 $0x1BF5;
	p2 =	por !p2, p0  }
0x20: {  	[sflag:s8] =	ssyncset.s32 @!p0 $0xFFFFF086;
	s6 =	sadd.s32 @!p0 s3, s7;
	s7 =	simm.s32 @!p0 $0x108  }
0x21: {  	s3 =	sadd.s32 s3, s9;
	s6 =	sadd.s32 @!p0 $0x88, s6;
	s7 =	simm.s32 @p2 $0x1082  }
0x22: {  	[simem:s7], [sflag:s8] =	dma.local @!p0 [hbm:s6], $0xF7A  }
0x23: {  	s9 =	sor.u32 $0xD0000000, s2;
	s6 =	simm.s32 $0x108;
	_ =	swait.ge @!p0 [sflag:s8], $0x0  }
0x24: {  	s3 =	sadd.s32 $0x88, s3;
	s6 =	simm.s32 @!p1 $0x1082;
	[sflag:s4] =	ssyncset.s32 $0xFFFFF086  }
0x25: {  	[simem:s6], [sflag:s4] =	dma.local [hbm:s3], $0xF7A  }
0x26: {  	[smem:$0x3F9B] =	sst s1;
	(tag) =	ssettag s2;
	_ =	strace s9  }
0x27: {  	s1 =	sld [smem:$0x3FAB]  }
0x28: {  	s2 =	sld [smem:$0x3FAC]  }
0x29: {  	s4 =	sld [smem:$0x3FAE]  }
0x2a: {  	p0 =	seq.s32 s5, $0x0;
	s5 =	sld [smem:$0x3FAF]  }
0x2b: {  	s6 =	sld [smem:$0x3FB0]  }
0x2c: {  	s7 =	sld [smem:$0x3FB1]  }
0x2d: {  	s3 =	simm.s32 $0x108;
	s8 =	sld [smem:$0x3FB2]  }
0x2e: {  	s3 =	simm.s32 @!p0 $0x1082;
	s9 =	sld [smem:$0x3FB3]  }
0x2f: {  	lr =	sadd.s32 s0, s3;
	s0 =	sld [smem:$0x3FAA]  }
0x30: {  	s3 =	sld [smem:$0x3FAD]  }
0x31: {  	[smem:$0x3FB6] =	sst s10  }
0x32: {  	s10 =	sld [smem:$0x3FB4];
	_ =	sdelay $0x3  }
0x33: {  	p0 =	seq.s32 s10, $0x1;
	s10 =	sld [smem:$0x3FB6];
	_ =	sdelay $0x3  }
0x34: {  	[smem:$0x3FB6] =	sst s10  }
0x35: {  	s10 =	sld [smem:$0x3FB5];
	_ =	sdelay $0x3  }
0x36: {  	p1 =	seq.s32 s10, $0x1;
	s10 =	sld [smem:$0x3FB6];
	_ =	sdelay $0x3  }
0x37: {  	[smem:$0x3FB6] =	sst s10  }
0x38: {  	s10 =	sld [smem:$0x3FB7]  }
0x39: {  	_ = 	snop;
	(pc) =	sbr.ind lr, $3  }
0x3a: {  	_ = 	snop  }
0x3b: {  	_ = 	snop  }
0x3c: {  	p2 =	seq.s32 s10, $0x1;
	s10 =	sld [smem:$0x3FB6]  }
0x3d: {  	_ =	shalt  }
0x3e: {  	_ =	shalt  }
0x3f: {  	_ =	shalt  }
0x40: {  	_ =	shalt  }
0x41: {  	_ =	shalt  }
0x42: {  	_ =	shalt  }
0x43: {  	_ =	shalt  }
0x44: {  	_ =	shalt  }
0x45: {  	_ =	shalt  }
0x46: {  	_ =	shalt  }
0x47: {  	_ =	shalt  }
0x48: {  	_ =	shalt  }
0x49: {  	_ =	shalt  }
0x4a: {  	_ =	shalt  }
0x4b: {  	_ =	shalt  }
0x4c: {  	_ =	shalt  }
0x4d: {  	_ =	shalt  }
0x4e: {  	_ =	shalt  }
0x4f: {  	_ =	shalt  }
0x50: {  	_ =	shalt  }
0x51: {  	_ =	shalt  }
0x52: {  	_ =	shalt  }
0x53: {  	_ =	shalt  }
0x54: {  	_ =	shalt  }
0x55: {  	_ =	shalt  }
0x56: {  	_ =	shalt  }
0x57: {  	_ =	shalt  }
0x58: {  	_ =	shalt  }
0x59: {  	_ =	shalt  }
0x5a: {  	_ =	shalt  }
0x5b: {  	_ =	shalt  }
0x5c: {  	_ =	shalt  }
0x5d: {  	_ =	shalt  }
0x5e: {  	_ =	shalt  }
0x5f: {  	_ =	shalt  }
0x60: {  	_ =	shalt  }
0x61: {  	_ =	shalt  }
0x62: {  	_ =	shalt  }
0x63: {  	_ =	shalt  }
0x64: {  	_ =	shalt  }
0x65: {  	_ =	shalt  }
0x66: {  	_ =	shalt  }
0x67: {  	_ =	shalt  }
0x68: {  	_ =	shalt  }
0x69: {  	_ =	shalt  }
0x6a: {  	_ =	shalt  }
0x6b: {  	_ =	shalt  }
0x6c: {  	_ =	shalt  }
0x6d: {  	_ =	shalt  }
0x6e: {  	_ =	shalt  }
0x6f: {  	_ =	shalt  }
0x70: {  	_ =	shalt  }
0x71: {  	_ =	shalt  }
0x72: {  	_ =	shalt  }
0x73: {  	_ =	shalt  }
0x74: {  	_ =	shalt  }
0x75: {  	_ =	shalt  }
0x76: {  	_ =	shalt  }
0x77: {  	_ =	shalt  }
0x78: {  	_ =	shalt  }
0x79: {  	_ =	shalt  }
0x7a: {  	_ =	shalt  }
0x7b: {  	_ =	shalt  }
0x7c: {  	_ =	shalt  }
0x7d: {  	_ =	shalt  }
0x7e: {  	_ =	shalt  }
0x7f: {  	_ =	shalt  }
0x80: {  	_ =	shalt  }
0x81: {  	_ =	shalt  }
0x82: {  	_ =	shalt  }
0x83: {  	_ =	shalt  }
0x84: {  	_ =	shalt  }
0x85: {  	_ =	shalt  }
0x86: {  	_ =	shalt  }
0x87: {  	_ =	shalt  }
.Lfunc_end0:
.L_simem_size_0:
called_computation_lowered:
.L_overlay_start_0:
0x88: {  	s2 =	sld [smem:$0x3FD9]  }
0x89: {  	s3 =	sld [smem:$0x3FFE];
	_ =	sdelay $0x1  }
0x8a: {  	s1 =	srdreg.scid  }
0x8b: {  	s0 =	sand.u32 $0x1, s1  }
0x8c: {  	s18 =	sshll.u32 s0, $0xA;
	s2 =	sadd.s32 s3, s2  }
0x8d: {  	s2 =	sadd.s32 s2, s18  }
0x8e: {  	[smem:$0x3FC2] =	sst s2  }
0x8f: {  	_ = 	snop  }
0x90: {  	s2 =	sld [smem:$0x3FC8]  }
0x91: {  	s19 =	sld [smem:$0x3FD0];
	(tm) =	ssettm $0x1  }
0x92: {  	s4 =	sld [smem:$0x3FFB];
	_ =	sdelay $0x3  }
0x93: {  	_ =	strace s4  }
0x94: {  	s4 =	sld [smem:$0x3FFC];
	_ =	sdelay $0x3  }
0x95: {  	_ =	strace s4  }
0x96: {  	s4 =	sld [smem:$0x3FFD];
	_ =	sdelay $0x3  }
0x97: {  	_ =	strace s4  }
0x98: {  	_ =	strace $0x8FFFFFFF  }
0x99: {  	s20 =	sld [smem:$0x3FDB];
	_ =	sdelay $0x1  }
0x9a: {  	s5 =	simm.s32 $_scs_section_size  }
0x9b: {  	s6 =	simm.s32 $_size__tile_overlayer_lowered;
	s7 =	simm.s32 $_tile_overlayer_lowered  }
0x9c: {  	s23 =	simm.s32 $0x1BFF;
	s22 =	sshll.u32 s7, $0x1;
	s4 =	sadd.s32 s5, s20  }
0x9d: {  	s8 =	simm.s32 $0x0;
	s21 =	sshll.u32 s6, $0x1;
	s6 =	sadd.s32 s22, s4  }
0x9e: {  	[timem:s8], [sflag:s23] =	dma.local [hbm:s6], s21  }
0x9f: {  	_ =	swait.ge [sflag:s23], s21  }
0xa0: {  	s5 =	ssub.s32 $0x0, s21;
	[sflag:s23] =	ssyncset.done $0x0  }
0xa1: {  	[sflag:s23] =	ssyncadd.s32 s5;
	_ =	sdelay $0x1  }
0xa2: {  	s24 =	simm.s32 $0x1B8B  }
0xa3: {  	_ =	swait.ge [sflag:s24], $0x1  }
0xa4: {  	[sflag:s24] =	ssyncset.done $0x0  }
0xa5: {  	s25 =	simm.s32 $0x1B8E;
	[sflag:s24] =	ssyncadd.s32 $0xFFFFFFFF  }
0xa6: {  	s26 =	simm.s32 $execute0_lowered;
	[smem:$0x3FD2] =	sst s25  }
0xa7: {  	s5 =	sshll.u32 s26, $0x1;
	_ =	strace $0x80000046;
	[dreg:$0x1] =	wrdreg $0xFFFFFFFF  }
0xa8: {  	s28 =	simm.s32 $_size_execute0_lowered;
	s4 =	sadd.s32 s4, s5;
	[dreg:$0x0] =	wrdreg $0x0  }
0xa9: {  	s5 =	sshll.u32 s28, $0x1;
	[dreg:$0x2] =	wrdreg s4  }
0xaa: {  	[dreg:$0x3] =	wrdreg s5  }
0xab: {  	[dreg:$0x4] =	wrdreg $0xC0  }
0xac: {  	_ =	task [dreg:s8], $0x5FFFF  }
0xad: {  	[dreg:$0x1] =	wrdreg $0xFFFFFFFF  }
0xae: {  	[dreg:$0x0] =	wrdreg $0x60  }
0xaf: {  	[dreg:$0x2] =	wrdreg s2  }
0xb0: {  	[dreg:$0x3] =	wrdreg s19  }
0xb1: {  	[dreg:$0x4] =	wrdreg $0x7A800  }
0xb2: {  	[dreg:$0x5] =	wrdreg $0x9  }
0xb3: {  	_ =	task.clear_ibuf [dreg:s8], $0x6FFFF;
	_ =	strace $0x90000046  }
0xb4: {  	s29 =	simm.s32 $0x9;
	_ =	strace $0x80000048  }
0xb5: {  	_ =	swait.ge [sflag:s29], $0x1  }
0xb6: {  	[sflag:s29] =	ssyncadd.s32 $0xFFFFFFFF  }
0xb7: {  	_ =	strace $0x90000048  }
0xb8: {  	_ =	sfence  }
0xb9: {  	s30 =	sld [smem:$0x0];
	_ =	sdelay $0x2  }
0xba: {  	s31 =	sshll.u32 s1, $0xD;
	s1 =	sshrl.u32 s1, $0x2  }
0xbb: {  	s3 =	sand.u32 $0x4000, s31;
	s1 =	sadd.s32 s1, s30  }
0xbc: {  	s0 =	sor.u32 s3, s0;
	s1 =	sshll.u32 s1, $0x11  }
0xbd: {  	s0 =	sor.u32 s1, s0  }
0xbe: {  	s0 =	sadd.s32 $0x8F2B, s0  }
0xbf: {  	[sflag:s0] =	ssyncadd.remote.s32 $0x1  }
0xc0: {  	_ =	sfence.sel $0xFFFF  }
0xc1: {  	[dreg:$0x0] =	wrdreg $0xFFFFFFFF;
	(pc) =	sbr.abs _section_cstart, $3  }
0xc2: {  	[dreg:$0x1] =	wrdreg $0xFFFFFFFF  }
0xc3: {  	_ =	task.clear_ibuf [dreg:s8], $0x2FFFF;
	_ =	strace $0x9FFFFFFF  }
0xc4: {  	(tm) =	ssettm $0x7FFFFFFF  }
0xc5: {  	_ =	shalt  }
tec
execute0_lowered:
.L_overlay_start_1:
0x0: {  	(tag) =	ssettag $0x1  }
0x1: {  	s4 =	rddreg [dreg:$0x0]  }
0x2: {  	s1 =	srdreg.scid;
	s8 =	rddreg [dreg:$0x1]  }
0x3: {  	s0 =	stileid.u32;
	s2 =	rddreg [dreg:$0x2]  }
0x4: {  	s3 =	simm.s32 $0x0;
	s13 =	simm.s32 $0x50;
	s14 =	simm.s32 $0x7A00  }
0x5: {  	s17 =	simm.s32 $0x0;
	s5 =	sand.u32 $0x1, s1;
	s1 =	rddreg [dreg:$0x3]  }
0x6: {  	s29 =	sshll.u32 s0, $0x1;
	[smem:$0x7FF] =	sst s3;
	s9 =	smul.u32 $0x4E20, s0  }
0x7: {  	s31 =	sshll.u32 s0, $0xA;
	p0 =	sgt.u32 s0, $0x9;
	s6 =	sor.u32 s5, s29  }
0x8: {  	s7 =	ssub.s32 $0x2, s5;
	s11 =	smul.u32 $0x2710, s5;
	_ =	strace $0x80000047  }
0x9: {  	s30 =	smul.u32 $0x2800, s5;
	s5 =	sadd.s32 s31, s2;
	s15 =	sshll.u32 @!p0 s0, $0x6  }
0xa: {  	s6 =	smul.u32 $0x2710, s6;
	s10 =	sshrl.u32 s7, $0x1;
	s15 =	sor.u32 @!p0 $0x1C01, s15  }
0xb: {  	s16 =	sshrl.u32 @!p0 s5, $0x3;
	s10 =	ssub.s32 s7, s10;
	s9 =	sadd.s32 s11, s9  }
0xc: {  	s7 =	sadd.s32 s31, s30;
	s6 =	sand.u32 $0x7FF80, s6;
	s11 =	sand.u32 $0xFFF80, s9  }
0xd: {  	s12 =	sshrl.u32 s7, $0x3;
	s6 =	smin.u32 s6, $0x4B900;
	s11 =	smin.u32 s11, $0x4B900  }
0xe: {  	v0 =	vlaneseq.u32;
	s8 =	sadd.s32 s8, s12;
	s12 =	simm.s32 $0x5200;
	s6 =	sshrl.u32 s6, $0x2  }
0xf: {  	v1 =	vimm.f32 $0.0e+00;
	v6 =	vimm.f32 $1.000000000e+00;
	v2 =	vor.u32 $0x10, v0;
	s7 =	ssub.s32 s9, s11;
	s9 =	smax.u32 s10, $0x1;
	s11 =	simm.s32 $0x1  }
0x10: {  	v3 =	vor.u32 $0x20, v0;
	v4 =	vor.u32 $0x30, v0;
	v5 =	vor.u32 $0x40, v0;
	s4 =	sadd.s32 s4, s6;
	s6 =	sadd.s32 $0x5200, s31;
	s10 =	sshll.u32 s7, $0x1  }
.LBB2_1:
0x11: {  	[tilespmem:s3], [sflag:$0x1] =	stream.linear.gather [hbm4b:s4+s3], $0x5200, $0x38;
	[tilespmem:$0x7D00] =	vst v63  }
0x12: {  	_ =	swait.ge [sflag:s11], $0x5200  }
0x13: {  	[sflag:s11] =	ssyncset.done $0x0  }
0x14: {  	s18 =	simm.s32 $0x0;
	s19 =	simm.s32 $0x200;
	[sflag:s11] =	ssyncadd.s32 $0xFFFFAE00  }
.LBB2_2:
0x15: {  	p1 =	sne.s32 s19, $0x9E00;
	[tilespmem:s18+$0x5270] =	vst v1  }
0x16: {  	[tilespmem:s18+$0x5200] =	vst v1  }
0x17: {  	[tilespmem:s18+$0x5210] =	vst v1  }
.Ltmp0:
0x18: {  	[tilespmem:s18+$0x5220] =	vst v1;
	(pc) =	sbr.rel @p1 .LBB2_2-.Ltmp0, $4  }
0x19: {  	[tilespmem:s18+$0x5230] =	vst v1  }
0x1a: {  	[tilespmem:s18+$0x5240] =	vst v1  }
0x1b: {  	[tilespmem:s18+$0x5250] =	vst v1  }
0x1c: {  	[tilespmem:s18+$0x5260] =	vst v1;
	s18 =	sshra.s32 s19, $0x2;
	s19 =	sadd.s32 $0x200, s19  }
0x1d: {  	[tilespmem:s18+$0x5270] =	vst v1  }
0x1e: {  	[tilespmem:s18+$0x5200] =	vst v1  }
0x1f: {  	[tilespmem:s18+$0x5210] =	vst v1  }
0x20: {  	[tilespmem:s18+$0x5220] =	vst v1  }
0x21: {  	[tilespmem:s18+$0x5230] =	vst v1  }
0x22: {  	[tilespmem:s18+$0x5240] =	vst v1  }
0x23: {  	[tilespmem:s18+$0x5250] =	vst v1  }
0x24: {  	[tilespmem:s18+$0x5260] =	vst v1  }
0x25: {  	[tilespmem:$0x7A00] =	vst v0  }
0x26: {  	[tilespmem:$0x7A10] =	vst v2  }
0x27: {  	[tilespmem:$0x7A20] =	vst v3  }
0x28: {  	[tilespmem:$0x7A30] =	vst v4  }
0x29: {  	s18 =	simm.s32 @!p0 $0x1;
	[tilespmem:$0x7A40] =	vst v5  }
0x2a: {  	[spmem:s5] =	stream.linear.scatter @!p0 [tilespmem:s6], [sflag:$0x1], $0x400, $0x38;
	[tilespmem:$0x7D00] =	vst v63  }
0x2b: {  	_ =	swait.ge @!p0 [sflag:s18], $0x400  }
0x2c: {  	s19 =	sadd.s32 $0x0, s7;
	[sflag:s18] =	ssyncset.done @!p0 $0x0  }
0x2d: {  	s31 =	sand.u32 $0xFFFFFF00, s10;
	s30 =	sand.u32 $0x70, s19;
	[sflag:s18] =	ssyncadd.s32 @!p0 $0xFFFFFC00  }
0x2e: {  	s18 =	sor.u32 s30, s31;
	[bflag:$0x0] =	sbarrier.arrive $0xFFFF  }
0x2f: {  	v7 =	vld [tilespmem:s18+$0x80];
	_ =	sdelay $0x5  }
0x30: {  	s20 =	sadd.s32 $0x10, s7;
	s19 =	simm.s32 $0x20;
	s18 =	sadd.s32 $0x20, s10  }
.LBB2_4:
0x31: {  	p1 =	sne.s32 s19, $0x2700;
	s20 =	sand.u32 $0x70, s20;
	s21 =	sand.u32 $0xFFFFFF00, s18  }
0x32: {  	s20 =	sor.u32 s20, s21;
	[tilespmem:v7+s12+$0x0] =	vst.idx.add.f32.msk $0xffff, v6  }
0x33: {  	v7 =	vld [tilespmem:s20+$0x80];
	_ =	sdelay $0x1  }
.Ltmp1:
0x34: {  	(pc) =	sbr.rel @p1 .LBB2_4-.Ltmp1, $2  }
0x35: {  	_ =	sdelay $0x2  }
0x36: {  	s18 =	sadd.s32 $0x20, s18;
	s20 =	sadd.s32 s19, s7;
	s19 =	sadd.s32 $0x10, s19  }
0x37: {  	_ =	sdelay $0x2  }
0x38: {  	s19 =	sand.u32 $0x70, s20;
	s18 =	sand.u32 $0xFFFFFF00, s18  }
0x39: {  	[tilespmem:v7+s12+$0x0] =	vst.idx.add.f32.msk $0xffff, v6;
	s18 =	sor.u32 s19, s18  }
0x3a: {  	v7 =	vld [tilespmem:s18+$0x80];
	_ =	sdelay $0x7  }
0x3b: {  	[tilespmem:v7+s12+$0x0] =	vst.idx.add.f32.msk $0xffff, v6  }
0x3c: {  	[spmem:s2] =	stream.indirect.scatter.add.f32 [tilespmem:s12], [sflag:$0x1], $0x80, s14, s13, $0xb8;
	[tilespmem:$0x7D00] =	vst v63  }
0x3d: {  	_ =	swait.ge [sflag:s11], $0x2800  }
0x3e: {  	s17 =	sadd.s32 $0x1, s17;
	[sflag:s11] =	ssyncset.done $0x0  }
0x3f: {  	p1 =	sne.s32 s17, s9;
	[sflag:s11] =	ssyncadd.s32 $0xFFFFD800  }
.Ltmp2:
0x40: {  	s18 =	simm.s32 @!p0 $0x1;
	[bflag:$0x0] =	sbarrier.arrive $0xFFFF;
	(pc) =	sbr.rel @p1 .LBB2_1-.Ltmp2, $4  }
0x41: {  	[hbm:s8], [sflag:s15] =	dma.local @!p0 [spmem:s16], $0x80  }
0x42: {  	_ =	swait.ge @!p0 [sflag:s18], $0x80  }
0x43: {  	[sflag:s18] =	ssyncset.done @!p0 $0x0  }
0x44: {  	[sflag:s18] =	ssyncadd.s32 @!p0 $0xFFFFFF80  }
0x45: {  	_ =	sfence.sel $0x180000  }
0x46: {  	[bflag:$0x0] =	sbarrier.arrive $0xFFFF  }
0x47: {  	p0 =	sne.s32 s0, $0x0;
	_ =	strace $0x90000047  }
0x48: {  	s0 =	sadd.s32 @!p0 $0x100000, s1;
	[bflag:$0x2] =	sbarrier.arrive $0xFFFF  }
0x49: {  	[sflag:s0] =	ssyncadd.tile.s32 @!p0 $0x1;
	_ =	shalt  }
.Lfunc_end2:
_tile_overlayer_lowered:
.L_overlay_start_2:
0x4a: {  	(tag) =	ssettag $0x2  }
0x4b: {  	s0 =	rddreg [dreg:$0x0];
	s2 =	stileid.u32  }
0x4c: {  	s1 =	rddreg [dreg:$0x1];
	p0 =	sne.s32 s2, $0x0  }
0x4d: {  	s3 =	rddreg [dreg:$0x2];
	[bflag:$0x3] =	sbarrier.arrive $0xFFFF;
	s2 =	simm.s32 @!p0 $0x1C01  }
0x4e: {  	[timem:s3], [sflag:s2] =	dma.local @!p0 [hbm:s0], s1  }
0x4f: {  	s0 =	simm.s32 @!p0 $0x1  }
0x50: {  	_ =	swait.ge @!p0 [sflag:s0], s1  }
0x51: {  	s1 =	ssub.s32 @!p0 $0x0, s1;
	[sflag:s0] =	ssyncset.done @!p0 $0x0  }
0x52: {  	[sflag:s0] =	ssyncadd.s32 @!p0 s1  }
0x53: {  	[bflag:$0x3] =	sbarrier.arrive $0xFFFF  }
0x54: {  	_ =	shalt  }

</sc_bundles>
